<compile_context>
chip_gen: v7x
topology: tpu7x:2x2x1
jax: 0.10.2.dev20260603
libtpu: 0.0.44.dev20260713+nightly
codegen_flags: <defaults>
</compile_context>

<pallas_src>
import functools

import jax
import jax.numpy as jnp
from jax import lax
from jax.experimental import pallas as pl
from jax.experimental.pallas import tpu as pltpu
from jax.experimental.pallas import tpu_sc as plsc

_LW = 8
_SC_CHUNK = 512
_NW = 32


def _embed_gather(x_flat, embed):
    ntok = x_flat.shape[0]
    d = embed.shape[1]
    bpw = ntok // _NW
    mesh = plsc.VectorSubcoreMesh(core_axis_name="c", subcore_axis_name="s")

    @functools.partial(
        pl.kernel,
        mesh=mesh,
        out_type=jax.ShapeDtypeStruct((ntok, d), jnp.float32),
        scratch_types=[
            pltpu.VMEM((bpw,), jnp.int32),
            pltpu.VMEM((bpw, d), jnp.float32),
            pltpu.SemaphoreType.DMA,
        ],
    )
    def gather_kernel(table_hbm, idx_hbm, out_hbm, idx_v, rows_v, sem):
        wid = lax.axis_index("s") * 2 + lax.axis_index("c")
        base = wid * bpw
        pltpu.sync_copy(idx_hbm.at[pl.ds(base, bpw)], idx_v)
        pltpu.async_copy(table_hbm.at[idx_v], rows_v, sem).wait()
        pltpu.sync_copy(rows_v, out_hbm.at[pl.ds(base, bpw)])

    return gather_kernel(embed, x_flat)


def _tc_body(h_ref, td_ref, wk_ref, wv_ref, wr_ref, mkt_ref, mv_ref,
             wq_ref, wo_ref, ow_ref, ob_ref, out_ref,
             dnx_ref, a_ref, b_ref):
    bsz = h_ref.shape[0]
    dmodel = h_ref.shape[2]
    vocab = out_ref.shape[1]
    cap = 50
    rows = bsz * _SC_CHUNK
    nwin = rows // _LW
    nw = _SC_CHUNK // _LW
    f32 = jnp.float32

    ne = jnp.exp(td_ref[...])

    @pl.when(pl.program_id(0) == 0)
    def _init():
        a_ref[...] = jnp.zeros_like(a_ref)
        b_ref[...] = jnp.zeros_like(b_ref)
        rowmod = (lax.broadcasted_iota(jnp.int32, (rows, dmodel), 0) & (_LW - 1)
                  ).astype(f32)
        dnx_ref[...] = jnp.exp(-(rowmod + 1.0) * ne)

    hm = h_ref[...].reshape(rows, dmodel)
    k2 = jnp.dot(hm, wk_ref[...], preferred_element_type=f32)
    v2 = jnp.dot(hm, wv_ref[...], preferred_element_type=f32)
    r2 = 1.0 / (1.0 + jnp.exp(-jnp.dot(hm, wr_ref[...],
                                       preferred_element_type=f32)))

    ek = jnp.exp(jnp.clip(k2, -30.0, 30.0))
    ua = (ek * v2).reshape(nwin, _LW, dmodel)
    ub = ek.reshape(nwin, _LW, dmodel)
    sh = 1
    while sh < _LW:
        dsh = jnp.exp(f32(-sh) * ne)[None]
        z = jnp.zeros((nwin, sh, dmodel), f32)
        ua = ua + dsh * jnp.concatenate([z, ua[:, :_LW - sh, :]], axis=1)
        ub = ub + dsh * jnp.concatenate([z, ub[:, :_LW - sh, :]], axis=1)
        sh *= 2

    ngrp = nwin // _LW
    w2a = ua[:, _LW - 1, :].reshape(ngrp, _LW, dmodel)
    w2b = ub[:, _LW - 1, :].reshape(ngrp, _LW, dmodel)
    sh = 1
    while sh < _LW:
        dsh = jnp.exp(f32(-_LW * sh) * ne)[None]
        z = jnp.zeros((ngrp, sh, dmodel), f32)
        w2a = w2a + dsh * jnp.concatenate([z, w2a[:, :_LW - sh, :]], axis=1)
        w2b = w2b + dsh * jnp.concatenate([z, w2b[:, :_LW - sh, :]], axis=1)
        sh *= 2

    npb = ngrp // bsz
    gl = _LW * _LW
    ga = w2a[:, _LW - 1, :].reshape(bsz, npb, dmodel)
    gb = w2b[:, _LW - 1, :].reshape(bsz, npb, dmodel)
    sh = 1
    while sh < npb:
        dsh = jnp.exp(f32(-gl * sh) * ne)[None]
        z = jnp.zeros((bsz, sh, dmodel), f32)
        ga = ga + dsh * jnp.concatenate([z, ga[:, :npb - sh, :]], axis=1)
        gb = gb + dsh * jnp.concatenate([z, gb[:, :npb - sh, :]], axis=1)
        sh *= 2

    a_in = a_ref[...]
    b_in = b_ref[...]
    p_all = jnp.exp(f32(-gl * npb) * ne)
    a_ref[...] = p_all * a_in + ga[:, npb - 1, :]
    b_ref[...] = p_all * b_in + gb[:, npb - 1, :]

    kpos = lax.broadcasted_iota(jnp.int32, (npb, dmodel), 0).astype(f32)
    p64 = jnp.exp((-f32(gl) * kpos) * ne)[None]
    zb = jnp.zeros((bsz, 1, dmodel), f32)
    sga = p64 * a_in[:, None, :] + jnp.concatenate(
        [zb, ga[:, :npb - 1, :]], axis=1)
    sgb = p64 * b_in[:, None, :] + jnp.concatenate(
        [zb, gb[:, :npb - 1, :]], axis=1)

    jpos = lax.broadcasted_iota(jnp.int32, (_LW, dmodel), 0).astype(f32)
    pw8 = jnp.exp((-f32(_LW) * jpos) * ne)[None]
    zg = jnp.zeros((ngrp, 1, dmodel), f32)
    sga_e = jnp.broadcast_to(sga.reshape(ngrp, 1, dmodel), (ngrp, _LW, dmodel))
    sgb_e = jnp.broadcast_to(sgb.reshape(ngrp, 1, dmodel), (ngrp, _LW, dmodel))
    swa = pw8 * sga_e + jnp.concatenate([zg, w2a[:, :_LW - 1, :]], axis=1)
    swb = pw8 * sgb_e + jnp.concatenate([zg, w2b[:, :_LW - 1, :]], axis=1)

    aex = jnp.broadcast_to(swa.reshape(nwin, 1, dmodel), (nwin, _LW, dmodel))
    bex = jnp.broadcast_to(swb.reshape(nwin, 1, dmodel), (nwin, _LW, dmodel))
    dnx = dnx_ref[...].reshape(nwin, _LW, dmodel)
    wkv = ((dnx * aex + ua) / (dnx * bex + ub + 1e-8)).reshape(rows, dmodel)
    h2 = hm + r2 * wkv

    q = jnp.dot(h2, wq_ref[...], preferred_element_type=f32)
    scores = jnp.dot(q, mkt_ref[...], preferred_element_type=f32)
    scores = scores / jnp.sqrt(f32(dmodel))
    colid = lax.broadcasted_iota(jnp.int32, (rows, mkt_ref.shape[1]), 1
                                 ).astype(f32)
    neg = f32(-1e30)
    scores = jnp.where(colid < cap, scores, neg)
    m1 = jnp.max(scores, axis=1, keepdims=True)
    i1 = jnp.min(jnp.where(scores == m1, colid, f32(1e9)), axis=1, keepdims=True)
    mask1 = colid == i1
    s2 = jnp.where(mask1, neg, scores)
    m2 = jnp.max(s2, axis=1, keepdims=True)
    i2 = jnp.min(jnp.where(s2 == m2, colid, f32(1e9)), axis=1, keepdims=True)
    mask2 = colid == i2
    e2 = jnp.exp(m2 - m1)
    inv = 1.0 / (1.0 + e2)
    wfull = jnp.where(mask1, inv, 0.0) + jnp.where(mask2, e2 * inv, 0.0)
    retrieved = jnp.dot(wfull, mv_ref[...], preferred_element_type=f32)
    h3 = h2 + jnp.dot(retrieved, wo_ref[...], preferred_element_type=f32)

    outt = jnp.dot(ow_ref[...], h3.T, preferred_element_type=f32) + ob_ref[...]
    for b in range(bsz):
        out_ref[b] = outt[:, b * _SC_CHUNK:(b + 1) * _SC_CHUNK]


def kernel(x, embed, time_decay, Wk, Wv, Wr, mem_keys, mem_vals, Wq, Wo,
           out_W, out_b):
    bsz, seq = x.shape
    vocab, dmodel = embed.shape
    cap = mem_keys.shape[0]
    capp = 128

    h = _embed_gather(x.reshape(-1).astype(jnp.int32), embed)
    h = h.reshape(bsz, seq, dmodel)

    mkt = jnp.zeros((dmodel, capp), jnp.float32).at[:, :cap].set(mem_keys.T)
    mv = jnp.zeros((capp, dmodel), jnp.float32).at[:cap].set(mem_vals)
    td2 = time_decay.reshape(1, dmodel)
    owt = out_W.T
    obc = out_b.reshape(vocab, 1)

    out = _tc_call(h, td2, Wk, Wv, Wr, mkt, mv, Wq, Wo, owt, obc)
    return jnp.swapaxes(out, 1, 2)


def _tc_call(h, td2, Wk, Wv, Wr, mkt, mv, Wq, Wo, owt, obc, interpret=False):
    bsz, seq, dmodel = h.shape
    vocab = owt.shape[0]
    capp = mkt.shape[1]
    nblk = seq // _SC_CHUNK
    grid = (nblk,)
    return pl.pallas_call(
        _tc_body,
        grid=grid,
        in_specs=[
            pl.BlockSpec((bsz, _SC_CHUNK, dmodel), lambda i: (0, i, 0)),
            pl.BlockSpec((1, dmodel), lambda i: (0, 0)),
            pl.BlockSpec((dmodel, dmodel), lambda i: (0, 0)),
            pl.BlockSpec((dmodel, dmodel), lambda i: (0, 0)),
            pl.BlockSpec((dmodel, dmodel), lambda i: (0, 0)),
            pl.BlockSpec((dmodel, capp), lambda i: (0, 0)),
            pl.BlockSpec((capp, dmodel), lambda i: (0, 0)),
            pl.BlockSpec((dmodel, dmodel), lambda i: (0, 0)),
            pl.BlockSpec((dmodel, dmodel), lambda i: (0, 0)),
            pl.BlockSpec((vocab, dmodel), lambda i: (0, 0)),
            pl.BlockSpec((vocab, 1), lambda i: (0, 0)),
        ],
        out_specs=pl.BlockSpec((bsz, vocab, _SC_CHUNK), lambda i: (0, 0, i)),
        out_shape=jax.ShapeDtypeStruct((bsz, vocab, seq), jnp.float32),
        scratch_shapes=[
            pltpu.VMEM((bsz * _SC_CHUNK, dmodel), jnp.float32),
            pltpu.VMEM((bsz, dmodel), jnp.float32),
            pltpu.VMEM((bsz, dmodel), jnp.float32),
        ],
        interpret=interpret,
    )(h, td2, Wk, Wv, Wr, mkt, mv, Wq, Wo, owt, obc)

# --- scband reference (transcript-rebuilt; emitter-appended) ---
"""Pipeline reference for scband-infinite-context-model-82738249990939 (READ-ONLY COPY).

The authoritative reference and input builder live on the scoring server;
editing this copy changes nothing except your own understanding.
"""

import jax, jax.numpy as jnp
import numpy as np

B, S, V, D, CAP, KTOP = 4, 2048, 1000, 128, 50, 2

def setup_inputs(seed: int = 0):
    key = jax.random.key(seed)
    ks = jax.random.split(key, 13)
    def n(k, shape, s=0.02):
        return jax.random.normal(k, shape, dtype=jnp.float32) * s
    return {
        'x': jax.random.randint(ks[0], (B, S), 0, V),
        'embed': n(ks[1], (V, D)),
        'time_decay': jax.random.uniform(ks[2], (D,), dtype=jnp.float32, minval=-1.0, maxval=1.0),
        'Wk': n(ks[3], (D, D)),
        'Wv': n(ks[4], (D, D)),
        'Wr': n(ks[5], (D, D)),
        'mem_keys': n(ks[6], (CAP, D), 1.0),
        'mem_vals': n(ks[7], (CAP, D), 1.0),
        'Wq': n(ks[8], (D, D)),
        'Wo': n(ks[9], (D, D)),
        'out_W': n(ks[10], (D, V)),
        'out_b': jnp.zeros((V,), dtype=jnp.float32),
    }

def reference(x, embed, time_decay, Wk, Wv, Wr, mem_keys, mem_vals, Wq, Wo, out_W, out_b):
    # embedding lookup (gather)
    h = jnp.take(embed, x, axis=0)  # [B, S, D]
    # RWKV-style linear recurrence (time mixing)
    k = h @ Wk
    v = h @ Wv
    r = jax.nn.sigmoid(h @ Wr)
    decay = jnp.exp(-jnp.exp(time_decay))  # (0,1) per-channel decay
    def step(carry, kv):
        a, b = carry
        kt, vt = kv
        ek = jnp.exp(jnp.clip(kt, -30.0, 30.0))
        a2 = decay * a + ek * vt
        b2 = decay * b + ek
        return (a2, b2), a2 / (b2 + 1e-8)
    a0 = jnp.zeros((h.shape[0], h.shape[2]), dtype=h.dtype)
    b0 = jnp.zeros_like(a0)
    _, wkv = jax.lax.scan(step, (a0, b0), (jnp.swapaxes(k, 0, 1), jnp.swapaxes(v, 0, 1)))
    wkv = jnp.swapaxes(wkv, 0, 1)  # [B, S, D]
    h = h + r * wkv
    # LinkSlotAttention: top-k retrieval over hierarchical memory slots
    q = h @ Wq  # [B, S, D]
    scores = (q @ mem_keys.T) / jnp.sqrt(jnp.float32(q.shape[-1]))  # [B, S, CAP]
    topv, topi = jax.lax.top_k(scores, KTOP)  # [B, S, KTOP]
    w = jax.nn.softmax(topv, axis=-1)
    gathered = jnp.take(mem_vals, topi, axis=0)  # [B, S, KTOP, D]
    retrieved = jnp.einsum('bsk,bskd->bsd', w, gathered)
    h = h + retrieved @ Wo
    # output projection to vocab
    return h @ out_W + out_b

if __name__ == "__main__":
    import jax
    _d = setup_inputs()
    print(jax.jit(kernel)(*tuple(_d.values())))

</pallas_src>

<mosaic_0001>
#map = affine_map<(d0, d1) -> (0, 0)>
#map1 = affine_map<(d0, d1) -> (0)>
module attributes {stable_mosaic.version = 14 : i64} {
  func.func @gather_kernel(%arg0: i32, %arg1: i32, %arg2: memref<1000x128xf32, #tpu.memory_space<hbm>>, %arg3: memref<8192xi32, #tpu.memory_space<hbm>>, %arg4: memref<8192x128xf32, #tpu.memory_space<hbm>>, %arg5: memref<256xi32, #tpu.memory_space<vmem>>, %arg6: memref<256x128xf32, #tpu.memory_space<vmem>>, %arg7: memref<!tpu.dma_semaphore, #tpu.memory_space<semaphore_mem>>) attributes {dimension_semantics = [#tpu.dimension_semantics<core_parallel>, #tpu.dimension_semantics<subcore_parallel>], iteration_bounds = array<i64: 2, 16>, scalar_prefetch = 0 : i64, scratch_operands = 3 : i64, tpu.core_type = #tpu.core_type<sc_vector_subcore>, window_params = [{transform_indices = #map}, {transform_indices = #map1}, {transform_indices = #map}]} {
    %mul3A = arith.constant 2 : i32
    %mul3A_0 = arith.muli %arg1, %mul3A : i32
    %add3A = arith.addi %mul3A_0, %arg0 : i32
    %mul3A_1 = arith.constant 256 : i32
    %mul3A_2 = arith.muli %add3A, %mul3A_1 : i32
    "tpu.region"() ({
      %run_scoped3A = tpu.sem_alloc : memref<!tpu.dma_semaphore, #tpu.memory_space<semaphore_mem>>
      %dma_start3A_7 = tpu.memref_slice %arg3[%mul3A_2] : memref<8192xi32, #tpu.memory_space<hbm>> -> memref<256xi32, #tpu.memory_space<hbm>>
      %dma_start3A_8 = tpu.memref_slice %arg3[%mul3A_2] : memref<8192xi32, #tpu.memory_space<hbm>> -> memref<256xi32, #tpu.memory_space<hbm>>
      tpu.enqueue_dma source(%dma_start3A_8 : memref<256xi32, #tpu.memory_space<hbm>>) target(%arg5 : memref<256xi32, #tpu.memory_space<vmem>>) target_semaphore(%run_scoped3A : memref<!tpu.dma_semaphore, #tpu.memory_space<semaphore_mem>>)
      %dma_wait3A_9 = tpu.memref_slice %arg3[%mul3A_2] : memref<8192xi32, #tpu.memory_space<hbm>> -> memref<256xi32, #tpu.memory_space<hbm>>
      %dma_wait3A_10 = tpu.memref_slice %arg3[%mul3A_2] : memref<8192xi32, #tpu.memory_space<hbm>> -> memref<256xi32, #tpu.memory_space<hbm>>
      tpu.wait_dma2 semaphore(%run_scoped3A : memref<!tpu.dma_semaphore, #tpu.memory_space<semaphore_mem>>) src(%dma_wait3A_10 : memref<256xi32, #tpu.memory_space<hbm>>) dst(%arg5 : memref<256xi32, #tpu.memory_space<vmem>>)
      tpu.yield
    }) : () -> ()
    %dma_start3A = arith.constant 0 : i32
    %dma_start3A_3 = arith.constant 0 : i32
    %dma_start3A_4 = tpu.memref_slice %arg2[%dma_start3A, %dma_start3A_3] : memref<1000x128xf32, #tpu.memory_space<hbm>> -> memref<1000x128xf32, #tpu.memory_space<hbm>>
    tpu.enqueue_indirect_dma source(%dma_start3A_4 : memref<1000x128xf32, #tpu.memory_space<hbm>>) target(%arg6 : memref<256x128xf32, #tpu.memory_space<vmem>>) offsets(%arg5 : memref<256xi32, #tpu.memory_space<vmem>>) semaphore(%arg7 : memref<!tpu.dma_semaphore, #tpu.memory_space<semaphore_mem>>)
    %dma_wait3A = arith.constant 0 : i32
    %dma_wait3A_5 = arith.constant 0 : i32
    %dma_wait3A_6 = tpu.memref_slice %arg2[%dma_wait3A, %dma_wait3A_5] : memref<1000x128xf32, #tpu.memory_space<hbm>> -> memref<1000x128xf32, #tpu.memory_space<hbm>>
    tpu.wait_indirect_dma semaphore(%arg7 : memref<!tpu.dma_semaphore, #tpu.memory_space<semaphore_mem>>) src(%dma_wait3A_6 : memref<1000x128xf32, #tpu.memory_space<hbm>>) dst(%arg6 : memref<256x128xf32, #tpu.memory_space<vmem>>)
    "tpu.region"() ({
      %run_scoped3A = tpu.sem_alloc : memref<!tpu.dma_semaphore, #tpu.memory_space<semaphore_mem>>
      %dma_start3A_7 = arith.constant 0 : i32
      %dma_start3A_8 = tpu.memref_slice %arg4[%mul3A_2, %dma_start3A_7] : memref<8192x128xf32, #tpu.memory_space<hbm>> -> memref<256x128xf32, #tpu.memory_space<hbm>>
      %dma_start3A_9 = arith.constant 0 : i32
      %dma_start3A_10 = tpu.memref_slice %arg4[%mul3A_2, %dma_start3A_9] : memref<8192x128xf32, #tpu.memory_space<hbm>> -> memref<256x128xf32, #tpu.memory_space<hbm>>
      tpu.enqueue_dma source(%arg6 : memref<256x128xf32, #tpu.memory_space<vmem>>) target(%dma_start3A_10 : memref<256x128xf32, #tpu.memory_space<hbm>>) target_semaphore(%run_scoped3A : memref<!tpu.dma_semaphore, #tpu.memory_space<semaphore_mem>>)
      %dma_wait3A_11 = arith.constant 0 : i32
      %dma_wait3A_12 = tpu.memref_slice %arg4[%mul3A_2, %dma_wait3A_11] : memref<8192x128xf32, #tpu.memory_space<hbm>> -> memref<256x128xf32, #tpu.memory_space<hbm>>
      %dma_wait3A_13 = arith.constant 0 : i32
      %dma_wait3A_14 = tpu.memref_slice %arg4[%mul3A_2, %dma_wait3A_13] : memref<8192x128xf32, #tpu.memory_space<hbm>> -> memref<256x128xf32, #tpu.memory_space<hbm>>
      tpu.wait_dma2 semaphore(%run_scoped3A : memref<!tpu.dma_semaphore, #tpu.memory_space<semaphore_mem>>) src(%arg6 : memref<256x128xf32, #tpu.memory_space<vmem>>) dst(%dma_wait3A_14 : memref<256x128xf32, #tpu.memory_space<hbm>>)
      tpu.yield
    }) : () -> ()
    return
  }
}

module attributes {stable_mosaic.version = 14 : i64} {
  func.func @_tc_body(%arg0: i32, %arg1: memref<4x512x128xf32, #tpu.memory_space<vmem>>, %arg2: memref<1x128xf32, #tpu.memory_space<vmem>>, %arg3: memref<128x128xf32, #tpu.memory_space<vmem>>, %arg4: memref<128x128xf32, #tpu.memory_space<vmem>>, %arg5: memref<128x128xf32, #tpu.memory_space<vmem>>, %arg6: memref<128x128xf32, #tpu.memory_space<vmem>>, %arg7: memref<128x128xf32, #tpu.memory_space<vmem>>, %arg8: memref<128x128xf32, #tpu.memory_space<vmem>>, %arg9: memref<128x128xf32, #tpu.memory_space<vmem>>, %arg10: memref<1000x128xf32, #tpu.memory_space<vmem>>, %arg11: memref<1000x1xf32, #tpu.memory_space<vmem>>, %arg12: memref<4x1000x512xf32, #tpu.memory_space<vmem>>, %arg13: memref<2048x128xf32, #tpu.memory_space<vmem>>, %arg14: memref<4x128xf32, #tpu.memory_space<vmem>>, %arg15: memref<4x128xf32, #tpu.memory_space<vmem>>) attributes {dimension_semantics = [#tpu.dimension_semantics<arbitrary>], iteration_bounds = array<i64: 4>, scalar_prefetch = 0 : i64, scratch_operands = 3 : i64, tpu.core_type = #tpu.core_type<tc>, window_params = [{transform_indices = @transform_0, window_bounds = array<i64: 4, 512, 128>}, {pipeline_mode = #tpu.pipeline_mode<synchronous>, transform_indices = @transform_1, window_bounds = array<i64: 1, 128>}, {pipeline_mode = #tpu.pipeline_mode<synchronous>, transform_indices = @transform_2, window_bounds = array<i64: 128, 128>}, {pipeline_mode = #tpu.pipeline_mode<synchronous>, transform_indices = @transform_3, window_bounds = array<i64: 128, 128>}, {pipeline_mode = #tpu.pipeline_mode<synchronous>, transform_indices = @transform_4, window_bounds = array<i64: 128, 128>}, {pipeline_mode = #tpu.pipeline_mode<synchronous>, transform_indices = @transform_5, window_bounds = array<i64: 128, 128>}, {pipeline_mode = #tpu.pipeline_mode<synchronous>, transform_indices = @transform_6, window_bounds = array<i64: 128, 128>}, {pipeline_mode = #tpu.pipeline_mode<synchronous>, transform_indices = @transform_7, window_bounds = array<i64: 128, 128>}, {pipeline_mode = #tpu.pipeline_mode<synchronous>, transform_indices = @transform_8, window_bounds = array<i64: 128, 128>}, {pipeline_mode = #tpu.pipeline_mode<synchronous>, transform_indices = @transform_9, window_bounds = array<i64: 1000, 128>}, {pipeline_mode = #tpu.pipeline_mode<synchronous>, transform_indices = @transform_10, window_bounds = array<i64: 1000, 1>}, {transform_indices = @transform_11, window_bounds = array<i64: 4, 1000, 512>}]} {
    %get3A = arith.constant 0 : index
    %get3A_0 = arith.constant 0 : index
    %get3A_1 = vector.load %arg2[%get3A, %get3A_0] : memref<1x128xf32, #tpu.memory_space<vmem>>, vector<1x128xf32>
    %exp3A = math.exp %get3A_1 : vector<1x128xf32>
    %eq3A = arith.constant 0 : i32
    %eq3A_2 = arith.cmpi eq, %arg0, %eq3A : i32
    %convert_element_type3A = arith.extui %eq3A_2 : i1 to i32
    %cond3A = arith.constant 0 : i32
    %cond3A_3 = arith.cmpi ne, %convert_element_type3A, %cond3A : i32
    scf.if %cond3A_3 {
      %broadcast_in_dim3A_411 = arith.constant 0.000000e+00 : f32
      %broadcast_in_dim3A_412 = vector.broadcast %broadcast_in_dim3A_411 : f32 to vector<4x128xf32>
      %swap3A_413 = arith.constant 0 : index
      %swap3A_414 = arith.constant 0 : index
      %swap3A_415 = vector.load %arg14[%swap3A_413, %swap3A_414] : memref<4x128xf32, #tpu.memory_space<vmem>>, vector<4x128xf32>
      tpu.vector_store %arg14[%swap3A_413, %swap3A_414], %broadcast_in_dim3A_412 {strides = array<i32>} : memref<4x128xf32, #tpu.memory_space<vmem>>, vector<4x128xf32>,
      %broadcast_in_dim3A_416 = arith.constant 0.000000e+00 : f32
      %broadcast_in_dim3A_417 = vector.broadcast %broadcast_in_dim3A_416 : f32 to vector<4x128xf32>
      %swap3A_418 = arith.constant 0 : index
      %swap3A_419 = arith.constant 0 : index
      %swap3A_420 = vector.load %arg15[%swap3A_418, %swap3A_419] : memref<4x128xf32, #tpu.memory_space<vmem>>, vector<4x128xf32>
      tpu.vector_store %arg15[%swap3A_418, %swap3A_419], %broadcast_in_dim3A_417 {strides = array<i32>} : memref<4x128xf32, #tpu.memory_space<vmem>>, vector<4x128xf32>,
      %iota3A_421 = tpu.iota {dimensions = array<i32: 0>} : vector<2048x128xi32>
      %and3A = arith.constant 7 : i32
      %and3A_422 = vector.broadcast %and3A : i32 to vector<2048x128xi32>
      %and3A_423 = arith.andi %iota3A_421, %and3A_422 : vector<2048x128xi32>
      %convert_element_type3A_424 = arith.sitofp %and3A_423 : vector<2048x128xi32> to vector<2048x128xf32>
      %add3A_425 = arith.constant 1.000000e+00 : f32
      %add3A_426 = vector.broadcast %add3A_425 : f32 to vector<2048x128xf32>
      %add3A_427 = arith.addf %convert_element_type3A_424, %add3A_426 : vector<2048x128xf32>
      %neg3A_428 = arith.constant 0.000000e+00 : f32
      %neg3A_429 = vector.broadcast %neg3A_428 : f32 to vector<2048x128xf32>
      %neg3A_430 = arith.subf %neg3A_429, %add3A_427 : vector<2048x128xf32>
      %mul3A_431 = vector.broadcast %exp3A : vector<1x128xf32> to vector<2048x128xf32>
      %mul3A_432 = arith.mulf %neg3A_430, %mul3A_431 : vector<2048x128xf32>
      %exp3A_433 = math.exp %mul3A_432 : vector<2048x128xf32>
      %swap3A_434 = arith.constant 0 : index
      %swap3A_435 = arith.constant 0 : index
      %swap3A_436 = vector.load %arg13[%swap3A_434, %swap3A_435] : memref<2048x128xf32, #tpu.memory_space<vmem>>, vector<2048x128xf32>
      tpu.vector_store %arg13[%swap3A_434, %swap3A_435], %exp3A_433 {strides = array<i32>} : memref<2048x128xf32, #tpu.memory_space<vmem>>, vector<2048x128xf32>,
    } else {
    }
    %get3A_4 = arith.constant 0 : index
    %get3A_5 = arith.constant 0 : index
    %get3A_6 = arith.constant 0 : index
    %get3A_7 = vector.load %arg1[%get3A_4, %get3A_5, %get3A_6] : memref<4x512x128xf32, #tpu.memory_space<vmem>>, vector<4x512x128xf32>
    %reshape3A = vector.shape_cast %get3A_7 : vector<4x512x128xf32> to vector<2048x128xf32>
    %get3A_8 = arith.constant 0 : index
    %get3A_9 = arith.constant 0 : index
    %get3A_10 = vector.load %arg3[%get3A_8, %get3A_9] : memref<128x128xf32, #tpu.memory_space<vmem>>, vector<128x128xf32>
    %dot_general3A = arith.constant dense<0.000000e+00> : vector<2048x128xf32>
    %dot_general3A_11 = tpu.matmul %reshape3A, %get3A_10, %dot_general3A {dimension_numbers = #tpu.dot_dimension_numbers<[1], [0], [0], [1], [0, 0, 1, 1], [], []>, transpose_lhs_hint = false} : vector<2048x128xf32>, vector<128x128xf32>, vector<2048x128xf32> -> vector<2048x128xf32>
    %get3A_12 = arith.constant 0 : index
    %get3A_13 = arith.constant 0 : index
    %get3A_14 = vector.load %arg4[%get3A_12, %get3A_13] : memref<128x128xf32, #tpu.memory_space<vmem>>, vector<128x128xf32>
    %dot_general3A_15 = arith.constant dense<0.000000e+00> : vector<2048x128xf32>
    %dot_general3A_16 = tpu.matmul %reshape3A, %get3A_14, %dot_general3A_15 {dimension_numbers = #tpu.dot_dimension_numbers<[1], [0], [0], [1], [0, 0, 1, 1], [], []>, transpose_lhs_hint = false} : vector<2048x128xf32>, vector<128x128xf32>, vector<2048x128xf32> -> vector<2048x128xf32>
    %get3A_17 = arith.constant 0 : index
    %get3A_18 = arith.constant 0 : index
    %get3A_19 = vector.load %arg5[%get3A_17, %get3A_18] : memref<128x128xf32, #tpu.memory_space<vmem>>, vector<128x128xf32>
    %dot_general3A_20 = arith.constant dense<0.000000e+00> : vector<2048x128xf32>
    %dot_general3A_21 = tpu.matmul %reshape3A, %get3A_19, %dot_general3A_20 {dimension_numbers = #tpu.dot_dimension_numbers<[1], [0], [0], [1], [0, 0, 1, 1], [], []>, transpose_lhs_hint = false} : vector<2048x128xf32>, vector<128x128xf32>, vector<2048x128xf32> -> vector<2048x128xf32>
    %neg3A = arith.constant 0.000000e+00 : f32
    %neg3A_22 = vector.broadcast %neg3A : f32 to vector<2048x128xf32>
    %neg3A_23 = arith.subf %neg3A_22, %dot_general3A_21 : vector<2048x128xf32>
    %exp3A_24 = math.exp %neg3A_23 : vector<2048x128xf32>
    %add3A = arith.constant 1.000000e+00 : f32
    %add3A_25 = vector.broadcast %add3A : f32 to vector<2048x128xf32>
    %add3A_26 = arith.addf %add3A_25, %exp3A_24 : vector<2048x128xf32>
    %div3A = arith.constant 1.000000e+00 : f32
    %div3A_27 = vector.broadcast %div3A : f32 to vector<2048x128xf32>
    %div3A_28 = arith.divf %div3A_27, %add3A_26 : vector<2048x128xf32>
    %jit3A = arith.constant -3.000000e+01 : f32
    %jit3A_29 = arith.constant 3.000000e+01 : f32
    %max3A = vector.broadcast %jit3A : f32 to vector<2048x128xf32>
    %max3A_30 = arith.maximumf %max3A, %dot_general3A_11 : vector<2048x128xf32>
    %min3A = vector.broadcast %jit3A_29 : f32 to vector<2048x128xf32>
    %min3A_31 = arith.minimumf %min3A, %max3A_30 : vector<2048x128xf32>
    %exp3A_32 = math.exp %min3A_31 : vector<2048x128xf32>
    %mul3A = arith.mulf %exp3A_32, %dot_general3A_16 : vector<2048x128xf32>
    %reshape3A_33 = vector.shape_cast %mul3A : vector<2048x128xf32> to vector<256x8x128xf32>
    %reshape3A_34 = vector.shape_cast %exp3A_32 : vector<2048x128xf32> to vector<256x8x128xf32>
    %mul3A_35 = arith.constant -1.000000e+00 : f32
    %mul3A_36 = vector.broadcast %mul3A_35 : f32 to vector<1x128xf32>
    %mul3A_37 = arith.mulf %mul3A_36, %exp3A : vector<1x128xf32>
    %exp3A_38 = math.exp %mul3A_37 : vector<1x128xf32>
    %broadcast_in_dim3A = vector.shape_cast %exp3A_38 : vector<1x128xf32> to vector<1x1x128xf32>
    %broadcast_in_dim3A_39 = arith.constant 0.000000e+00 : f32
    %broadcast_in_dim3A_40 = vector.broadcast %broadcast_in_dim3A_39 : f32 to vector<256x1x128xf32>
    %slice3A = vector.extract_strided_slice %reshape3A_33 {offsets = [0, 0, 0], sizes = [256, 7, 128], strides = [1, 1, 1]} : vector<256x8x128xf32> to vector<256x7x128xf32>
    %concatenate3A = tpu.concatenate %broadcast_in_dim3A_40, %slice3A in 1 : vector<256x1x128xf32>, vector<256x7x128xf32> -> vector<256x8x128xf32>
    %mul3A_41 = vector.broadcast %broadcast_in_dim3A : vector<1x1x128xf32> to vector<256x8x128xf32>
    %mul3A_42 = arith.mulf %mul3A_41, %concatenate3A : vector<256x8x128xf32>
    %add3A_43 = arith.addf %reshape3A_33, %mul3A_42 : vector<256x8x128xf32>
    %slice3A_44 = vector.extract_strided_slice %reshape3A_34 {offsets = [0, 0, 0], sizes = [256, 7, 128], strides = [1, 1, 1]} : vector<256x8x128xf32> to vector<256x7x128xf32>
    %concatenate3A_45 = tpu.concatenate %broadcast_in_dim3A_40, %slice3A_44 in 1 : vector<256x1x128xf32>, vector<256x7x128xf32> -> vector<256x8x128xf32>
    %mul3A_46 = vector.broadcast %broadcast_in_dim3A : vector<1x1x128xf32> to vector<256x8x128xf32>
    %mul3A_47 = arith.mulf %mul3A_46, %concatenate3A_45 : vector<256x8x128xf32>
    %add3A_48 = arith.addf %reshape3A_34, %mul3A_47 : vector<256x8x128xf32>
    %mul3A_49 = arith.constant -2.000000e+00 : f32
    %mul3A_50 = vector.broadcast %mul3A_49 : f32 to vector<1x128xf32>
    %mul3A_51 = arith.mulf %mul3A_50, %exp3A : vector<1x128xf32>
    %exp3A_52 = math.exp %mul3A_51 : vector<1x128xf32>
    %broadcast_in_dim3A_53 = vector.shape_cast %exp3A_52 : vector<1x128xf32> to vector<1x1x128xf32>
    %broadcast_in_dim3A_54 = arith.constant 0.000000e+00 : f32
    %broadcast_in_dim3A_55 = vector.broadcast %broadcast_in_dim3A_54 : f32 to vector<256x2x128xf32>
    %slice3A_56 = vector.extract_strided_slice %add3A_43 {offsets = [0, 0, 0], sizes = [256, 6, 128], strides = [1, 1, 1]} : vector<256x8x128xf32> to vector<256x6x128xf32>
    %concatenate3A_57 = tpu.concatenate %broadcast_in_dim3A_55, %slice3A_56 in 1 : vector<256x2x128xf32>, vector<256x6x128xf32> -> vector<256x8x128xf32>
    %mul3A_58 = vector.broadcast %broadcast_in_dim3A_53 : vector<1x1x128xf32> to vector<256x8x128xf32>
    %mul3A_59 = arith.mulf %mul3A_58, %concatenate3A_57 : vector<256x8x128xf32>
    %add3A_60 = arith.addf %add3A_43, %mul3A_59 : vector<256x8x128xf32>
    %slice3A_61 = vector.extract_strided_slice %add3A_48 {offsets = [0, 0, 0], sizes = [256, 6, 128], strides = [1, 1, 1]} : vector<256x8x128xf32> to vector<256x6x128xf32>
    %concatenate3A_62 = tpu.concatenate %broadcast_in_dim3A_55, %slice3A_61 in 1 : vector<256x2x128xf32>, vector<256x6x128xf32> -> vector<256x8x128xf32>
    %mul3A_63 = vector.broadcast %broadcast_in_dim3A_53 : vector<1x1x128xf32> to vector<256x8x128xf32>
    %mul3A_64 = arith.mulf %mul3A_63, %concatenate3A_62 : vector<256x8x128xf32>
    %add3A_65 = arith.addf %add3A_48, %mul3A_64 : vector<256x8x128xf32>
    %mul3A_66 = arith.constant -4.000000e+00 : f32
    %mul3A_67 = vector.broadcast %mul3A_66 : f32 to vector<1x128xf32>
    %mul3A_68 = arith.mulf %mul3A_67, %exp3A : vector<1x128xf32>
    %exp3A_69 = math.exp %mul3A_68 : vector<1x128xf32>
    %broadcast_in_dim3A_70 = vector.shape_cast %exp3A_69 : vector<1x128xf32> to vector<1x1x128xf32>
    %broadcast_in_dim3A_71 = arith.constant 0.000000e+00 : f32
    %broadcast_in_dim3A_72 = vector.broadcast %broadcast_in_dim3A_71 : f32 to vector<256x4x128xf32>
    %slice3A_73 = vector.extract_strided_slice %add3A_60 {offsets = [0, 0, 0], sizes = [256, 4, 128], strides = [1, 1, 1]} : vector<256x8x128xf32> to vector<256x4x128xf32>
    %concatenate3A_74 = tpu.concatenate %broadcast_in_dim3A_72, %slice3A_73 in 1 : vector<256x4x128xf32>, vector<256x4x128xf32> -> vector<256x8x128xf32>
    %mul3A_75 = vector.broadcast %broadcast_in_dim3A_70 : vector<1x1x128xf32> to vector<256x8x128xf32>
    %mul3A_76 = arith.mulf %mul3A_75, %concatenate3A_74 : vector<256x8x128xf32>
    %add3A_77 = arith.addf %add3A_60, %mul3A_76 : vector<256x8x128xf32>
    %slice3A_78 = vector.extract_strided_slice %add3A_65 {offsets = [0, 0, 0], sizes = [256, 4, 128], strides = [1, 1, 1]} : vector<256x8x128xf32> to vector<256x4x128xf32>
    %concatenate3A_79 = tpu.concatenate %broadcast_in_dim3A_72, %slice3A_78 in 1 : vector<256x4x128xf32>, vector<256x4x128xf32> -> vector<256x8x128xf32>
    %mul3A_80 = vector.broadcast %broadcast_in_dim3A_70 : vector<1x1x128xf32> to vector<256x8x128xf32>
    %mul3A_81 = arith.mulf %mul3A_80, %concatenate3A_79 : vector<256x8x128xf32>
    %add3A_82 = arith.addf %add3A_65, %mul3A_81 : vector<256x8x128xf32>
    %slice3A_83 = vector.extract_strided_slice %add3A_77 {offsets = [0, 7, 0], sizes = [256, 1, 128], strides = [1, 1, 1]} : vector<256x8x128xf32> to vector<256x1x128xf32>
    %squeeze3A = vector.shape_cast %slice3A_83 : vector<256x1x128xf32> to vector<256x128xf32>
    %reshape3A_84 = vector.shape_cast %squeeze3A : vector<256x128xf32> to vector<32x8x128xf32>
    %slice3A_85 = vector.extract_strided_slice %add3A_82 {offsets = [0, 7, 0], sizes = [256, 1, 128], strides = [1, 1, 1]} : vector<256x8x128xf32> to vector<256x1x128xf32>
    %squeeze3A_86 = vector.shape_cast %slice3A_85 : vector<256x1x128xf32> to vector<256x128xf32>
    %reshape3A_87 = vector.shape_cast %squeeze3A_86 : vector<256x128xf32> to vector<32x8x128xf32>
    %mul3A_88 = arith.constant -8.000000e+00 : f32
    %mul3A_89 = vector.broadcast %mul3A_88 : f32 to vector<1x128xf32>
    %mul3A_90 = arith.mulf %mul3A_89, %exp3A : vector<1x128xf32>
    %exp3A_91 = math.exp %mul3A_90 : vector<1x128xf32>
    %broadcast_in_dim3A_92 = vector.shape_cast %exp3A_91 : vector<1x128xf32> to vector<1x1x128xf32>
    %broadcast_in_dim3A_93 = arith.constant 0.000000e+00 : f32
    %broadcast_in_dim3A_94 = vector.broadcast %broadcast_in_dim3A_93 : f32 to vector<32x1x128xf32>
    %slice3A_95 = vector.extract_strided_slice %reshape3A_84 {offsets = [0, 0, 0], sizes = [32, 7, 128], strides = [1, 1, 1]} : vector<32x8x128xf32> to vector<32x7x128xf32>
    %concatenate3A_96 = tpu.concatenate %broadcast_in_dim3A_94, %slice3A_95 in 1 : vector<32x1x128xf32>, vector<32x7x128xf32> -> vector<32x8x128xf32>
    %mul3A_97 = vector.broadcast %broadcast_in_dim3A_92 : vector<1x1x128xf32> to vector<32x8x128xf32>
    %mul3A_98 = arith.mulf %mul3A_97, %concatenate3A_96 : vector<32x8x128xf32>
    %add3A_99 = arith.addf %reshape3A_84, %mul3A_98 : vector<32x8x128xf32>
    %slice3A_100 = vector.extract_strided_slice %reshape3A_87 {offsets = [0, 0, 0], sizes = [32, 7, 128], strides = [1, 1, 1]} : vector<32x8x128xf32> to vector<32x7x128xf32>
    %concatenate3A_101 = tpu.concatenate %broadcast_in_dim3A_94, %slice3A_100 in 1 : vector<32x1x128xf32>, vector<32x7x128xf32> -> vector<32x8x128xf32>
    %mul3A_102 = vector.broadcast %broadcast_in_dim3A_92 : vector<1x1x128xf32> to vector<32x8x128xf32>
    %mul3A_103 = arith.mulf %mul3A_102, %concatenate3A_101 : vector<32x8x128xf32>
    %add3A_104 = arith.addf %reshape3A_87, %mul3A_103 : vector<32x8x128xf32>
    %mul3A_105 = arith.constant -1.600000e+01 : f32
    %mul3A_106 = vector.broadcast %mul3A_105 : f32 to vector<1x128xf32>
    %mul3A_107 = arith.mulf %mul3A_106, %exp3A : vector<1x128xf32>
    %exp3A_108 = math.exp %mul3A_107 : vector<1x128xf32>
    %broadcast_in_dim3A_109 = vector.shape_cast %exp3A_108 : vector<1x128xf32> to vector<1x1x128xf32>
    %broadcast_in_dim3A_110 = arith.constant 0.000000e+00 : f32
    %broadcast_in_dim3A_111 = vector.broadcast %broadcast_in_dim3A_110 : f32 to vector<32x2x128xf32>
    %slice3A_112 = vector.extract_strided_slice %add3A_99 {offsets = [0, 0, 0], sizes = [32, 6, 128], strides = [1, 1, 1]} : vector<32x8x128xf32> to vector<32x6x128xf32>
    %concatenate3A_113 = tpu.concatenate %broadcast_in_dim3A_111, %slice3A_112 in 1 : vector<32x2x128xf32>, vector<32x6x128xf32> -> vector<32x8x128xf32>
    %mul3A_114 = vector.broadcast %broadcast_in_dim3A_109 : vector<1x1x128xf32> to vector<32x8x128xf32>
    %mul3A_115 = arith.mulf %mul3A_114, %concatenate3A_113 : vector<32x8x128xf32>
    %add3A_116 = arith.addf %add3A_99, %mul3A_115 : vector<32x8x128xf32>
    %slice3A_117 = vector.extract_strided_slice %add3A_104 {offsets = [0, 0, 0], sizes = [32, 6, 128], strides = [1, 1, 1]} : vector<32x8x128xf32> to vector<32x6x128xf32>
    %concatenate3A_118 = tpu.concatenate %broadcast_in_dim3A_111, %slice3A_117 in 1 : vector<32x2x128xf32>, vector<32x6x128xf32> -> vector<32x8x128xf32>
    %mul3A_119 = vector.broadcast %broadcast_in_dim3A_109 : vector<1x1x128xf32> to vector<32x8x128xf32>
    %mul3A_120 = arith.mulf %mul3A_119, %concatenate3A_118 : vector<32x8x128xf32>
    %add3A_121 = arith.addf %add3A_104, %mul3A_120 : vector<32x8x128xf32>
    %mul3A_122 = arith.constant -3.200000e+01 : f32
    %mul3A_123 = vector.broadcast %mul3A_122 : f32 to vector<1x128xf32>
    %mul3A_124 = arith.mulf %mul3A_123, %exp3A : vector<1x128xf32>
    %exp3A_125 = math.exp %mul3A_124 : vector<1x128xf32>
    %broadcast_in_dim3A_126 = vector.shape_cast %exp3A_125 : vector<1x128xf32> to vector<1x1x128xf32>
    %broadcast_in_dim3A_127 = arith.constant 0.000000e+00 : f32
    %broadcast_in_dim3A_128 = vector.broadcast %broadcast_in_dim3A_127 : f32 to vector<32x4x128xf32>
    %slice3A_129 = vector.extract_strided_slice %add3A_116 {offsets = [0, 0, 0], sizes = [32, 4, 128], strides = [1, 1, 1]} : vector<32x8x128xf32> to vector<32x4x128xf32>
    %concatenate3A_130 = tpu.concatenate %broadcast_in_dim3A_128, %slice3A_129 in 1 : vector<32x4x128xf32>, vector<32x4x128xf32> -> vector<32x8x128xf32>
    %mul3A_131 = vector.broadcast %broadcast_in_dim3A_126 : vector<1x1x128xf32> to vector<32x8x128xf32>
    %mul3A_132 = arith.mulf %mul3A_131, %concatenate3A_130 : vector<32x8x128xf32>
    %add3A_133 = arith.addf %add3A_116, %mul3A_132 : vector<32x8x128xf32>
    %slice3A_134 = vector.extract_strided_slice %add3A_121 {offsets = [0, 0, 0], sizes = [32, 4, 128], strides = [1, 1, 1]} : vector<32x8x128xf32> to vector<32x4x128xf32>
    %concatenate3A_135 = tpu.concatenate %broadcast_in_dim3A_128, %slice3A_134 in 1 : vector<32x4x128xf32>, vector<32x4x128xf32> -> vector<32x8x128xf32>
    %mul3A_136 = vector.broadcast %broadcast_in_dim3A_126 : vector<1x1x128xf32> to vector<32x8x128xf32>
    %mul3A_137 = arith.mulf %mul3A_136, %concatenate3A_135 : vector<32x8x128xf32>
    %add3A_138 = arith.addf %add3A_121, %mul3A_137 : vector<32x8x128xf32>
    %slice3A_139 = vector.extract_strided_slice %add3A_133 {offsets = [0, 7, 0], sizes = [32, 1, 128], strides = [1, 1, 1]} : vector<32x8x128xf32> to vector<32x1x128xf32>
    %squeeze3A_140 = vector.shape_cast %slice3A_139 : vector<32x1x128xf32> to vector<32x128xf32>
    %reshape3A_141 = vector.shape_cast %squeeze3A_140 : vector<32x128xf32> to vector<4x8x128xf32>
    %slice3A_142 = vector.extract_strided_slice %add3A_138 {offsets = [0, 7, 0], sizes = [32, 1, 128], strides = [1, 1, 1]} : vector<32x8x128xf32> to vector<32x1x128xf32>
    %squeeze3A_143 = vector.shape_cast %slice3A_142 : vector<32x1x128xf32> to vector<32x128xf32>
    %reshape3A_144 = vector.shape_cast %squeeze3A_143 : vector<32x128xf32> to vector<4x8x128xf32>
    %mul3A_145 = arith.constant -6.400000e+01 : f32
    %mul3A_146 = vector.broadcast %mul3A_145 : f32 to vector<1x128xf32>
    %mul3A_147 = arith.mulf %mul3A_146, %exp3A : vector<1x128xf32>
    %exp3A_148 = math.exp %mul3A_147 : vector<1x128xf32>
    %broadcast_in_dim3A_149 = vector.shape_cast %exp3A_148 : vector<1x128xf32> to vector<1x1x128xf32>
    %broadcast_in_dim3A_150 = arith.constant 0.000000e+00 : f32
    %broadcast_in_dim3A_151 = vector.broadcast %broadcast_in_dim3A_150 : f32 to vector<4x1x128xf32>
    %slice3A_152 = vector.extract_strided_slice %reshape3A_141 {offsets = [0, 0, 0], sizes = [4, 7, 128], strides = [1, 1, 1]} : vector<4x8x128xf32> to vector<4x7x128xf32>
    %concatenate3A_153 = tpu.concatenate %broadcast_in_dim3A_151, %slice3A_152 in 1 : vector<4x1x128xf32>, vector<4x7x128xf32> -> vector<4x8x128xf32>
    %mul3A_154 = vector.broadcast %broadcast_in_dim3A_149 : vector<1x1x128xf32> to vector<4x8x128xf32>
    %mul3A_155 = arith.mulf %mul3A_154, %concatenate3A_153 : vector<4x8x128xf32>
    %add3A_156 = arith.addf %reshape3A_141, %mul3A_155 : vector<4x8x128xf32>
    %slice3A_157 = vector.extract_strided_slice %reshape3A_144 {offsets = [0, 0, 0], sizes = [4, 7, 128], strides = [1, 1, 1]} : vector<4x8x128xf32> to vector<4x7x128xf32>
    %concatenate3A_158 = tpu.concatenate %broadcast_in_dim3A_151, %slice3A_157 in 1 : vector<4x1x128xf32>, vector<4x7x128xf32> -> vector<4x8x128xf32>
    %mul3A_159 = vector.broadcast %broadcast_in_dim3A_149 : vector<1x1x128xf32> to vector<4x8x128xf32>
    %mul3A_160 = arith.mulf %mul3A_159, %concatenate3A_158 : vector<4x8x128xf32>
    %add3A_161 = arith.addf %reshape3A_144, %mul3A_160 : vector<4x8x128xf32>
    %mul3A_162 = arith.constant -1.280000e+02 : f32
    %mul3A_163 = vector.broadcast %mul3A_162 : f32 to vector<1x128xf32>
    %mul3A_164 = arith.mulf %mul3A_163, %exp3A : vector<1x128xf32>
    %exp3A_165 = math.exp %mul3A_164 : vector<1x128xf32>
    %broadcast_in_dim3A_166 = vector.shape_cast %exp3A_165 : vector<1x128xf32> to vector<1x1x128xf32>
    %broadcast_in_dim3A_167 = arith.constant 0.000000e+00 : f32
    %broadcast_in_dim3A_168 = vector.broadcast %broadcast_in_dim3A_167 : f32 to vector<4x2x128xf32>
    %slice3A_169 = vector.extract_strided_slice %add3A_156 {offsets = [0, 0, 0], sizes = [4, 6, 128], strides = [1, 1, 1]} : vector<4x8x128xf32> to vector<4x6x128xf32>
    %concatenate3A_170 = tpu.concatenate %broadcast_in_dim3A_168, %slice3A_169 in 1 : vector<4x2x128xf32>, vector<4x6x128xf32> -> vector<4x8x128xf32>
    %mul3A_171 = vector.broadcast %broadcast_in_dim3A_166 : vector<1x1x128xf32> to vector<4x8x128xf32>
    %mul3A_172 = arith.mulf %mul3A_171, %concatenate3A_170 : vector<4x8x128xf32>
    %add3A_173 = arith.addf %add3A_156, %mul3A_172 : vector<4x8x128xf32>
    %slice3A_174 = vector.extract_strided_slice %add3A_161 {offsets = [0, 0, 0], sizes = [4, 6, 128], strides = [1, 1, 1]} : vector<4x8x128xf32> to vector<4x6x128xf32>
    %concatenate3A_175 = tpu.concatenate %broadcast_in_dim3A_168, %slice3A_174 in 1 : vector<4x2x128xf32>, vector<4x6x128xf32> -> vector<4x8x128xf32>
    %mul3A_176 = vector.broadcast %broadcast_in_dim3A_166 : vector<1x1x128xf32> to vector<4x8x128xf32>
    %mul3A_177 = arith.mulf %mul3A_176, %concatenate3A_175 : vector<4x8x128xf32>
    %add3A_178 = arith.addf %add3A_161, %mul3A_177 : vector<4x8x128xf32>
    %mul3A_179 = arith.constant -2.560000e+02 : f32
    %mul3A_180 = vector.broadcast %mul3A_179 : f32 to vector<1x128xf32>
    %mul3A_181 = arith.mulf %mul3A_180, %exp3A : vector<1x128xf32>
    %exp3A_182 = math.exp %mul3A_181 : vector<1x128xf32>
    %broadcast_in_dim3A_183 = vector.shape_cast %exp3A_182 : vector<1x128xf32> to vector<1x1x128xf32>
    %broadcast_in_dim3A_184 = arith.constant 0.000000e+00 : f32
    %broadcast_in_dim3A_185 = vector.broadcast %broadcast_in_dim3A_184 : f32 to vector<4x4x128xf32>
    %slice3A_186 = vector.extract_strided_slice %add3A_173 {offsets = [0, 0, 0], sizes = [4, 4, 128], strides = [1, 1, 1]} : vector<4x8x128xf32> to vector<4x4x128xf32>
    %concatenate3A_187 = tpu.concatenate %broadcast_in_dim3A_185, %slice3A_186 in 1 : vector<4x4x128xf32>, vector<4x4x128xf32> -> vector<4x8x128xf32>
    %mul3A_188 = vector.broadcast %broadcast_in_dim3A_183 : vector<1x1x128xf32> to vector<4x8x128xf32>
    %mul3A_189 = arith.mulf %mul3A_188, %concatenate3A_187 : vector<4x8x128xf32>
    %add3A_190 = arith.addf %add3A_173, %mul3A_189 : vector<4x8x128xf32>
    %slice3A_191 = vector.extract_strided_slice %add3A_178 {offsets = [0, 0, 0], sizes = [4, 4, 128], strides = [1, 1, 1]} : vector<4x8x128xf32> to vector<4x4x128xf32>
    %concatenate3A_192 = tpu.concatenate %broadcast_in_dim3A_185, %slice3A_191 in 1 : vector<4x4x128xf32>, vector<4x4x128xf32> -> vector<4x8x128xf32>
    %mul3A_193 = vector.broadcast %broadcast_in_dim3A_183 : vector<1x1x128xf32> to vector<4x8x128xf32>
    %mul3A_194 = arith.mulf %mul3A_193, %concatenate3A_192 : vector<4x8x128xf32>
    %add3A_195 = arith.addf %add3A_178, %mul3A_194 : vector<4x8x128xf32>
    %get3A_196 = arith.constant 0 : index
    %get3A_197 = arith.constant 0 : index
    %get3A_198 = vector.load %arg14[%get3A_196, %get3A_197] : memref<4x128xf32, #tpu.memory_space<vmem>>, vector<4x128xf32>
    %get3A_199 = arith.constant 0 : index
    %get3A_200 = arith.constant 0 : index
    %get3A_201 = vector.load %arg15[%get3A_199, %get3A_200] : memref<4x128xf32, #tpu.memory_space<vmem>>, vector<4x128xf32>
    %mul3A_202 = arith.constant -5.120000e+02 : f32
    %mul3A_203 = vector.broadcast %mul3A_202 : f32 to vector<1x128xf32>
    %mul3A_204 = arith.mulf %mul3A_203, %exp3A : vector<1x128xf32>
    %exp3A_205 = math.exp %mul3A_204 : vector<1x128xf32>
    %mul3A_206 = vector.broadcast %exp3A_205 : vector<1x128xf32> to vector<4x128xf32>
    %mul3A_207 = arith.mulf %mul3A_206, %get3A_198 : vector<4x128xf32>
    %slice3A_208 = vector.extract_strided_slice %add3A_190 {offsets = [0, 7, 0], sizes = [4, 1, 128], strides = [1, 1, 1]} : vector<4x8x128xf32> to vector<4x1x128xf32>
    %squeeze3A_209 = vector.shape_cast %slice3A_208 : vector<4x1x128xf32> to vector<4x128xf32>
    %add3A_210 = arith.addf %mul3A_207, %squeeze3A_209 : vector<4x128xf32>
    %swap3A = arith.constant 0 : index
    %swap3A_211 = arith.constant 0 : index
    %swap3A_212 = vector.load %arg14[%swap3A, %swap3A_211] : memref<4x128xf32, #tpu.memory_space<vmem>>, vector<4x128xf32>
    tpu.vector_store %arg14[%swap3A, %swap3A_211], %add3A_210 {strides = array<i32>} : memref<4x128xf32, #tpu.memory_space<vmem>>, vector<4x128xf32>,
    %mul3A_213 = vector.broadcast %exp3A_205 : vector<1x128xf32> to vector<4x128xf32>
    %mul3A_214 = arith.mulf %mul3A_213, %get3A_201 : vector<4x128xf32>
    %slice3A_215 = vector.extract_strided_slice %add3A_195 {offsets = [0, 7, 0], sizes = [4, 1, 128], strides = [1, 1, 1]} : vector<4x8x128xf32> to vector<4x1x128xf32>
    %squeeze3A_216 = vector.shape_cast %slice3A_215 : vector<4x1x128xf32> to vector<4x128xf32>
    %add3A_217 = arith.addf %mul3A_214, %squeeze3A_216 : vector<4x128xf32>
    %swap3A_218 = arith.constant 0 : index
    %swap3A_219 = arith.constant 0 : index
    %swap3A_220 = vector.load %arg15[%swap3A_218, %swap3A_219] : memref<4x128xf32, #tpu.memory_space<vmem>>, vector<4x128xf32>
    tpu.vector_store %arg15[%swap3A_218, %swap3A_219], %add3A_217 {strides = array<i32>} : memref<4x128xf32, #tpu.memory_space<vmem>>, vector<4x128xf32>,
    %iota3A = tpu.iota {dimensions = array<i32: 0>} : vector<8x128xi32>
    %convert_element_type3A_221 = arith.sitofp %iota3A : vector<8x128xi32> to vector<8x128xf32>
    %neg3A_222 = arith.constant 0.000000e+00 : f32
    %neg3A_223 = arith.constant 6.400000e+01 : f32
    %neg3A_224 = arith.subf %neg3A_222, %neg3A_223 : f32
    %mul3A_225 = vector.broadcast %neg3A_224 : f32 to vector<8x128xf32>
    %mul3A_226 = arith.mulf %mul3A_225, %convert_element_type3A_221 : vector<8x128xf32>
    %mul3A_227 = vector.broadcast %exp3A : vector<1x128xf32> to vector<8x128xf32>
    %mul3A_228 = arith.mulf %mul3A_226, %mul3A_227 : vector<8x128xf32>
    %exp3A_229 = math.exp %mul3A_228 : vector<8x128xf32>
    %broadcast_in_dim3A_230 = vector.shape_cast %exp3A_229 : vector<8x128xf32> to vector<1x8x128xf32>
    %broadcast_in_dim3A_231 = arith.constant 0.000000e+00 : f32
    %broadcast_in_dim3A_232 = vector.broadcast %broadcast_in_dim3A_231 : f32 to vector<4x1x128xf32>
    %broadcast_in_dim3A_233 = vector.shape_cast %get3A_198 : vector<4x128xf32> to vector<4x1x128xf32>
    %mul3A_234 = vector.broadcast %broadcast_in_dim3A_230 : vector<1x8x128xf32> to vector<4x8x128xf32>
    %mul3A_235 = vector.broadcast %broadcast_in_dim3A_233 : vector<4x1x128xf32> to vector<4x8x128xf32>
    %mul3A_236 = arith.mulf %mul3A_234, %mul3A_235 : vector<4x8x128xf32>
    %slice3A_237 = vector.extract_strided_slice %add3A_190 {offsets = [0, 0, 0], sizes = [4, 7, 128], strides = [1, 1, 1]} : vector<4x8x128xf32> to vector<4x7x128xf32>
    %concatenate3A_238 = tpu.concatenate %broadcast_in_dim3A_232, %slice3A_237 in 1 : vector<4x1x128xf32>, vector<4x7x128xf32> -> vector<4x8x128xf32>
    %add3A_239 = arith.addf %mul3A_236, %concatenate3A_238 : vector<4x8x128xf32>
    %broadcast_in_dim3A_240 = vector.shape_cast %get3A_201 : vector<4x128xf32> to vector<4x1x128xf32>
    %mul3A_241 = vector.broadcast %broadcast_in_dim3A_230 : vector<1x8x128xf32> to vector<4x8x128xf32>
    %mul3A_242 = vector.broadcast %broadcast_in_dim3A_240 : vector<4x1x128xf32> to vector<4x8x128xf32>
    %mul3A_243 = arith.mulf %mul3A_241, %mul3A_242 : vector<4x8x128xf32>
    %slice3A_244 = vector.extract_strided_slice %add3A_195 {offsets = [0, 0, 0], sizes = [4, 7, 128], strides = [1, 1, 1]} : vector<4x8x128xf32> to vector<4x7x128xf32>
    %concatenate3A_245 = tpu.concatenate %broadcast_in_dim3A_232, %slice3A_244 in 1 : vector<4x1x128xf32>, vector<4x7x128xf32> -> vector<4x8x128xf32>
    %add3A_246 = arith.addf %mul3A_243, %concatenate3A_245 : vector<4x8x128xf32>
    %iota3A_247 = tpu.iota {dimensions = array<i32: 0>} : vector<8x128xi32>
    %convert_element_type3A_248 = arith.sitofp %iota3A_247 : vector<8x128xi32> to vector<8x128xf32>
    %neg3A_249 = arith.constant 0.000000e+00 : f32
    %neg3A_250 = arith.constant 8.000000e+00 : f32
    %neg3A_251 = arith.subf %neg3A_249, %neg3A_250 : f32
    %mul3A_252 = vector.broadcast %neg3A_251 : f32 to vector<8x128xf32>
    %mul3A_253 = arith.mulf %mul3A_252, %convert_element_type3A_248 : vector<8x128xf32>
    %mul3A_254 = vector.broadcast %exp3A : vector<1x128xf32> to vector<8x128xf32>
    %mul3A_255 = arith.mulf %mul3A_253, %mul3A_254 : vector<8x128xf32>
    %exp3A_256 = math.exp %mul3A_255 : vector<8x128xf32>
    %broadcast_in_dim3A_257 = vector.shape_cast %exp3A_256 : vector<8x128xf32> to vector<1x8x128xf32>
    %broadcast_in_dim3A_258 = arith.constant 0.000000e+00 : f32
    %broadcast_in_dim3A_259 = vector.broadcast %broadcast_in_dim3A_258 : f32 to vector<32x1x128xf32>
    %reshape3A_260 = vector.shape_cast %add3A_239 : vector<4x8x128xf32> to vector<32x1x128xf32>
    %broadcast_in_dim3A_261 = vector.shape_cast %reshape3A_260 : vector<32x1x128xf32> to vector<32x1x128xf32>
    %broadcast_in_dim3A_262 = vector.broadcast %broadcast_in_dim3A_261 : vector<32x1x128xf32> to vector<32x8x128xf32>
    %reshape3A_263 = vector.shape_cast %add3A_246 : vector<4x8x128xf32> to vector<32x1x128xf32>
    %broadcast_in_dim3A_264 = vector.shape_cast %reshape3A_263 : vector<32x1x128xf32> to vector<32x1x128xf32>
    %broadcast_in_dim3A_265 = vector.broadcast %broadcast_in_dim3A_264 : vector<32x1x128xf32> to vector<32x8x128xf32>
    %mul3A_266 = vector.broadcast %broadcast_in_dim3A_257 : vector<1x8x128xf32> to vector<32x8x128xf32>
    %mul3A_267 = arith.mulf %mul3A_266, %broadcast_in_dim3A_262 : vector<32x8x128xf32>
    %slice3A_268 = vector.extract_strided_slice %add3A_133 {offsets = [0, 0, 0], sizes = [32, 7, 128], strides = [1, 1, 1]} : vector<32x8x128xf32> to vector<32x7x128xf32>
    %concatenate3A_269 = tpu.concatenate %broadcast_in_dim3A_259, %slice3A_268 in 1 : vector<32x1x128xf32>, vector<32x7x128xf32> -> vector<32x8x128xf32>
    %add3A_270 = arith.addf %mul3A_267, %concatenate3A_269 : vector<32x8x128xf32>
    %mul3A_271 = vector.broadcast %broadcast_in_dim3A_257 : vector<1x8x128xf32> to vector<32x8x128xf32>
    %mul3A_272 = arith.mulf %mul3A_271, %broadcast_in_dim3A_265 : vector<32x8x128xf32>
    %slice3A_273 = vector.extract_strided_slice %add3A_138 {offsets = [0, 0, 0], sizes = [32, 7, 128], strides = [1, 1, 1]} : vector<32x8x128xf32> to vector<32x7x128xf32>
    %concatenate3A_274 = tpu.concatenate %broadcast_in_dim3A_259, %slice3A_273 in 1 : vector<32x1x128xf32>, vector<32x7x128xf32> -> vector<32x8x128xf32>
    %add3A_275 = arith.addf %mul3A_272, %concatenate3A_274 : vector<32x8x128xf32>
    %reshape3A_276 = vector.shape_cast %add3A_270 : vector<32x8x128xf32> to vector<256x1x128xf32>
    %broadcast_in_dim3A_277 = vector.shape_cast %reshape3A_276 : vector<256x1x128xf32> to vector<256x1x128xf32>
    %broadcast_in_dim3A_278 = vector.broadcast %broadcast_in_dim3A_277 : vector<256x1x128xf32> to vector<256x8x128xf32>
    %reshape3A_279 = vector.shape_cast %add3A_275 : vector<32x8x128xf32> to vector<256x1x128xf32>
    %broadcast_in_dim3A_280 = vector.shape_cast %reshape3A_279 : vector<256x1x128xf32> to vector<256x1x128xf32>
    %broadcast_in_dim3A_281 = vector.broadcast %broadcast_in_dim3A_280 : vector<256x1x128xf32> to vector<256x8x128xf32>
    %get3A_282 = arith.constant 0 : index
    %get3A_283 = arith.constant 0 : index
    %get3A_284 = vector.load %arg13[%get3A_282, %get3A_283] : memref<2048x128xf32, #tpu.memory_space<vmem>>, vector<2048x128xf32>
    %reshape3A_285 = vector.shape_cast %get3A_284 : vector<2048x128xf32> to vector<256x8x128xf32>
    %mul3A_286 = arith.mulf %reshape3A_285, %broadcast_in_dim3A_278 : vector<256x8x128xf32>
    %add3A_287 = arith.addf %mul3A_286, %add3A_77 : vector<256x8x128xf32>
    %mul3A_288 = arith.mulf %reshape3A_285, %broadcast_in_dim3A_281 : vector<256x8x128xf32>
    %add3A_289 = arith.addf %mul3A_288, %add3A_82 : vector<256x8x128xf32>
    %add3A_290 = arith.constant 9.99999993E-9 : f32
    %add3A_291 = vector.broadcast %add3A_290 : f32 to vector<256x8x128xf32>
    %add3A_292 = arith.addf %add3A_289, %add3A_291 : vector<256x8x128xf32>
    %div3A_293 = arith.divf %add3A_287, %add3A_292 : vector<256x8x128xf32>
    %reshape3A_294 = vector.shape_cast %div3A_293 : vector<256x8x128xf32> to vector<2048x128xf32>
    %mul3A_295 = arith.mulf %div3A_28, %reshape3A_294 : vector<2048x128xf32>
    %add3A_296 = arith.addf %reshape3A, %mul3A_295 : vector<2048x128xf32>
    %get3A_297 = arith.constant 0 : index
    %get3A_298 = arith.constant 0 : index
    %get3A_299 = vector.load %arg8[%get3A_297, %get3A_298] : memref<128x128xf32, #tpu.memory_space<vmem>>, vector<128x128xf32>
    %dot_general3A_300 = arith.constant dense<0.000000e+00> : vector<2048x128xf32>
    %dot_general3A_301 = tpu.matmul %add3A_296, %get3A_299, %dot_general3A_300 {dimension_numbers = #tpu.dot_dimension_numbers<[1], [0], [0], [1], [0, 0, 1, 1], [], []>, transpose_lhs_hint = false} : vector<2048x128xf32>, vector<128x128xf32>, vector<2048x128xf32> -> vector<2048x128xf32>
    %get3A_302 = arith.constant 0 : index
    %get3A_303 = arith.constant 0 : index
    %get3A_304 = vector.load %arg6[%get3A_302, %get3A_303] : memref<128x128xf32, #tpu.memory_space<vmem>>, vector<128x128xf32>
    %dot_general3A_305 = arith.constant dense<0.000000e+00> : vector<2048x128xf32>
    %dot_general3A_306 = tpu.matmul %dot_general3A_301, %get3A_304, %dot_general3A_305 {dimension_numbers = #tpu.dot_dimension_numbers<[1], [0], [0], [1], [0, 0, 1, 1], [], []>, transpose_lhs_hint = false} : vector<2048x128xf32>, vector<128x128xf32>, vector<2048x128xf32> -> vector<2048x128xf32>
    %sqrt3A = arith.constant 1.280000e+02 : f32
    %sqrt3A_307 = math.sqrt %sqrt3A : f32
    %div3A_308 = vector.broadcast %sqrt3A_307 : f32 to vector<2048x128xf32>
    %div3A_309 = arith.divf %dot_general3A_306, %div3A_308 : vector<2048x128xf32>
    %iota3A_310 = tpu.iota {dimensions = array<i32: 1>} : vector<2048x128xi32>
    %convert_element_type3A_311 = arith.sitofp %iota3A_310 : vector<2048x128xi32> to vector<2048x128xf32>
    %lt3A = arith.constant 5.000000e+01 : f32
    %lt3A_312 = vector.broadcast %lt3A : f32 to vector<2048x128xf32>
    %lt3A_313 = arith.cmpf olt, %convert_element_type3A_311, %lt3A_312 : vector<2048x128xf32>
    %jit3A_314 = arith.constant -1.000000e+30 : f32
    %broadcast_in_dim3A_315 = vector.broadcast %jit3A_314 : f32 to vector<2048x128xf32>
    %select_n3A = arith.select %lt3A_313, %div3A_309, %broadcast_in_dim3A_315 : vector<2048x128xi1>, vector<2048x128xf32>
    %reduce_max3A = arith.constant dense<0xFF800000> : vector<2048xf32>
    %reduce_max3A_316 = vector.multi_reduction <maximumf>, %select_n3A, %reduce_max3A [1] : vector<2048x128xf32> to vector<2048xf32>
    %broadcast_in_dim3A_317 = vector.shape_cast %reduce_max3A_316 : vector<2048xf32> to vector<2048x1xf32>
    %eq3A_318 = vector.broadcast %broadcast_in_dim3A_317 : vector<2048x1xf32> to vector<2048x128xf32>
    %eq3A_319 = arith.cmpf oeq, %select_n3A, %eq3A_318 : vector<2048x128xf32>
    %jit3A_320 = arith.constant 1.000000e+09 : f32
    %broadcast_in_dim3A_321 = vector.broadcast %jit3A_320 : f32 to vector<2048x128xf32>
    %select_n3A_322 = arith.select %eq3A_319, %convert_element_type3A_311, %broadcast_in_dim3A_321 : vector<2048x128xi1>, vector<2048x128xf32>
    %reduce_min3A = arith.constant dense<0x7F800000> : vector<2048xf32>
    %reduce_min3A_323 = vector.multi_reduction <minimumf>, %select_n3A_322, %reduce_min3A [1] : vector<2048x128xf32> to vector<2048xf32>
    %broadcast_in_dim3A_324 = vector.shape_cast %reduce_min3A_323 : vector<2048xf32> to vector<2048x1xf32>
    %eq3A_325 = vector.broadcast %broadcast_in_dim3A_324 : vector<2048x1xf32> to vector<2048x128xf32>
    %eq3A_326 = arith.cmpf oeq, %convert_element_type3A_311, %eq3A_325 : vector<2048x128xf32>
    %jit3A_327 = arith.constant -1.000000e+30 : f32
    %broadcast_in_dim3A_328 = vector.broadcast %jit3A_327 : f32 to vector<2048x128xf32>
    %select_n3A_329 = arith.select %eq3A_326, %broadcast_in_dim3A_328, %select_n3A : vector<2048x128xi1>, vector<2048x128xf32>
    %reduce_max3A_330 = arith.constant dense<0xFF800000> : vector<2048xf32>
    %reduce_max3A_331 = vector.multi_reduction <maximumf>, %select_n3A_329, %reduce_max3A_330 [1] : vector<2048x128xf32> to vector<2048xf32>
    %broadcast_in_dim3A_332 = vector.shape_cast %reduce_max3A_331 : vector<2048xf32> to vector<2048x1xf32>
    %eq3A_333 = vector.broadcast %broadcast_in_dim3A_332 : vector<2048x1xf32> to vector<2048x128xf32>
    %eq3A_334 = arith.cmpf oeq, %select_n3A_329, %eq3A_333 : vector<2048x128xf32>
    %jit3A_335 = arith.constant 1.000000e+09 : f32
    %broadcast_in_dim3A_336 = vector.broadcast %jit3A_335 : f32 to vector<2048x128xf32>
    %select_n3A_337 = arith.select %eq3A_334, %convert_element_type3A_311, %broadcast_in_dim3A_336 : vector<2048x128xi1>, vector<2048x128xf32>
    %reduce_min3A_338 = arith.constant dense<0x7F800000> : vector<2048xf32>
    %reduce_min3A_339 = vector.multi_reduction <minimumf>, %select_n3A_337, %reduce_min3A_338 [1] : vector<2048x128xf32> to vector<2048xf32>
    %broadcast_in_dim3A_340 = vector.shape_cast %reduce_min3A_339 : vector<2048xf32> to vector<2048x1xf32>
    %eq3A_341 = vector.broadcast %broadcast_in_dim3A_340 : vector<2048x1xf32> to vector<2048x128xf32>
    %eq3A_342 = arith.cmpf oeq, %convert_element_type3A_311, %eq3A_341 : vector<2048x128xf32>
    %sub3A = arith.subf %broadcast_in_dim3A_332, %broadcast_in_dim3A_317 : vector<2048x1xf32>
    %exp3A_343 = math.exp %sub3A : vector<2048x1xf32>
    %add3A_344 = arith.constant 1.000000e+00 : f32
    %add3A_345 = vector.broadcast %add3A_344 : f32 to vector<2048x1xf32>
    %add3A_346 = arith.addf %add3A_345, %exp3A_343 : vector<2048x1xf32>
    %div3A_347 = arith.constant 1.000000e+00 : f32
    %div3A_348 = vector.broadcast %div3A_347 : f32 to vector<2048x1xf32>
    %div3A_349 = arith.divf %div3A_348, %add3A_346 : vector<2048x1xf32>
    %jit3A_350 = arith.constant 0.000000e+00 : f32
    %broadcast_in_dim3A_351 = vector.shape_cast %div3A_349 : vector<2048x1xf32> to vector<2048x1xf32>
    %broadcast_in_dim3A_352 = vector.broadcast %broadcast_in_dim3A_351 : vector<2048x1xf32> to vector<2048x128xf32>
    %broadcast_in_dim3A_353 = vector.broadcast %jit3A_350 : f32 to vector<2048x128xf32>
    %select_n3A_354 = arith.select %eq3A_326, %broadcast_in_dim3A_352, %broadcast_in_dim3A_353 : vector<2048x128xi1>, vector<2048x128xf32>
    %mul3A_355 = arith.mulf %exp3A_343, %div3A_349 : vector<2048x1xf32>
    %jit3A_356 = arith.constant 0.000000e+00 : f32
    %broadcast_in_dim3A_357 = vector.shape_cast %mul3A_355 : vector<2048x1xf32> to vector<2048x1xf32>
    %broadcast_in_dim3A_358 = vector.broadcast %broadcast_in_dim3A_357 : vector<2048x1xf32> to vector<2048x128xf32>
    %broadcast_in_dim3A_359 = vector.broadcast %jit3A_356 : f32 to vector<2048x128xf32>
    %select_n3A_360 = arith.select %eq3A_342, %broadcast_in_dim3A_358, %broadcast_in_dim3A_359 : vector<2048x128xi1>, vector<2048x128xf32>
    %add3A_361 = arith.addf %select_n3A_354, %select_n3A_360 : vector<2048x128xf32>
    %get3A_362 = arith.constant 0 : index
    %get3A_363 = arith.constant 0 : index
    %get3A_364 = vector.load %arg7[%get3A_362, %get3A_363] : memref<128x128xf32, #tpu.memory_space<vmem>>, vector<128x128xf32>
    %dot_general3A_365 = arith.constant dense<0.000000e+00> : vector<2048x128xf32>
    %dot_general3A_366 = tpu.matmul %add3A_361, %get3A_364, %dot_general3A_365 {dimension_numbers = #tpu.dot_dimension_numbers<[1], [0], [0], [1], [0, 0, 1, 1], [], []>, transpose_lhs_hint = false} : vector<2048x128xf32>, vector<128x128xf32>, vector<2048x128xf32> -> vector<2048x128xf32>
    %get3A_367 = arith.constant 0 : index
    %get3A_368 = arith.constant 0 : index
    %get3A_369 = vector.load %arg9[%get3A_367, %get3A_368] : memref<128x128xf32, #tpu.memory_space<vmem>>, vector<128x128xf32>
    %dot_general3A_370 = arith.constant dense<0.000000e+00> : vector<2048x128xf32>
    %dot_general3A_371 = tpu.matmul %dot_general3A_366, %get3A_369, %dot_general3A_370 {dimension_numbers = #tpu.dot_dimension_numbers<[1], [0], [0], [1], [0, 0, 1, 1], [], []>, transpose_lhs_hint = false} : vector<2048x128xf32>, vector<128x128xf32>, vector<2048x128xf32> -> vector<2048x128xf32>
    %add3A_372 = arith.addf %add3A_296, %dot_general3A_371 : vector<2048x128xf32>
    %get3A_373 = arith.constant 0 : index
    %get3A_374 = arith.constant 0 : index
    %get3A_375 = vector.load %arg10[%get3A_373, %get3A_374] : memref<1000x128xf32, #tpu.memory_space<vmem>>, vector<1000x128xf32>
    %transpose3A = tpu.transpose %add3A_372, [1, 0] : vector<2048x128xf32> -> vector<128x2048xf32>
    %dot_general3A_376 = arith.constant dense<0.000000e+00> : vector<1000x2048xf32>
    %dot_general3A_377 = tpu.matmul %get3A_375, %transpose3A, %dot_general3A_376 {dimension_numbers = #tpu.dot_dimension_numbers<[1], [0], [0], [1], [0, 0, 1, 1], [], []>, transpose_lhs_hint = false} : vector<1000x128xf32>, vector<128x2048xf32>, vector<1000x2048xf32> -> vector<1000x2048xf32>
    %get3A_378 = arith.constant 0 : index
    %get3A_379 = arith.constant 0 : index
    %get3A_380 = vector.load %arg11[%get3A_378, %get3A_379] : memref<1000x1xf32, #tpu.memory_space<vmem>>, vector<1000x1xf32>
    %add3A_381 = vector.broadcast %get3A_380 : vector<1000x1xf32> to vector<1000x2048xf32>
    %add3A_382 = arith.addf %dot_general3A_377, %add3A_381 : vector<1000x2048xf32>
    %slice3A_383 = vector.extract_strided_slice %add3A_382 {offsets = [0, 0], sizes = [1000, 512], strides = [1, 1]} : vector<1000x2048xf32> to vector<1000x512xf32>
    %swap3A_384 = arith.constant 0 : index
    %swap3A_385 = arith.constant 0 : index
    %swap3A_386 = arith.constant 0 : index
    %swap3A_387 = vector.load %arg12[%swap3A_384, %swap3A_385, %swap3A_386] : memref<4x1000x512xf32, #tpu.memory_space<vmem>>, vector<1x1000x512xf32>
    %swap3A_388 = vector.shape_cast %swap3A_387 : vector<1x1000x512xf32> to vector<1000x512xf32>
    %swap3A_389 = vector.shape_cast %slice3A_383 : vector<1000x512xf32> to vector<1x1000x512xf32>
    tpu.vector_store %arg12[%swap3A_384, %swap3A_385, %swap3A_386], %swap3A_389 {strides = array<i32>} : memref<4x1000x512xf32, #tpu.memory_space<vmem>>, vector<1x1000x512xf32>,
    %slice3A_390 = vector.extract_strided_slice %add3A_382 {offsets = [0, 512], sizes = [1000, 512], strides = [1, 1]} : vector<1000x2048xf32> to vector<1000x512xf32>
    %swap3A_391 = arith.constant 1 : index
    %swap3A_392 = arith.constant 0 : index
    %swap3A_393 = arith.constant 0 : index
    %swap3A_394 = vector.load %arg12[%swap3A_391, %swap3A_392, %swap3A_393] : memref<4x1000x512xf32, #tpu.memory_space<vmem>>, vector<1x1000x512xf32>
    %swap3A_395 = vector.shape_cast %swap3A_394 : vector<1x1000x512xf32> to vector<1000x512xf32>
    %swap3A_396 = vector.shape_cast %slice3A_390 : vector<1000x512xf32> to vector<1x1000x512xf32>
    tpu.vector_store %arg12[%swap3A_391, %swap3A_392, %swap3A_393], %swap3A_396 {strides = array<i32>} : memref<4x1000x512xf32, #tpu.memory_space<vmem>>, vector<1x1000x512xf32>,
    %slice3A_397 = vector.extract_strided_slice %add3A_382 {offsets = [0, 1024], sizes = [1000, 512], strides = [1, 1]} : vector<1000x2048xf32> to vector<1000x512xf32>
    %swap3A_398 = arith.constant 2 : index
    %swap3A_399 = arith.constant 0 : index
    %swap3A_400 = arith.constant 0 : index
    %swap3A_401 = vector.load %arg12[%swap3A_398, %swap3A_399, %swap3A_400] : memref<4x1000x512xf32, #tpu.memory_space<vmem>>, vector<1x1000x512xf32>
    %swap3A_402 = vector.shape_cast %swap3A_401 : vector<1x1000x512xf32> to vector<1000x512xf32>
    %swap3A_403 = vector.shape_cast %slice3A_397 : vector<1000x512xf32> to vector<1x1000x512xf32>
    tpu.vector_store %arg12[%swap3A_398, %swap3A_399, %swap3A_400], %swap3A_403 {strides = array<i32>} : memref<4x1000x512xf32, #tpu.memory_space<vmem>>, vector<1x1000x512xf32>,
    %slice3A_404 = vector.extract_strided_slice %add3A_382 {offsets = [0, 1536], sizes = [1000, 512], strides = [1, 1]} : vector<1000x2048xf32> to vector<1000x512xf32>
    %swap3A_405 = arith.constant 3 : index
    %swap3A_406 = arith.constant 0 : index
    %swap3A_407 = arith.constant 0 : index
    %swap3A_408 = vector.load %arg12[%swap3A_405, %swap3A_406, %swap3A_407] : memref<4x1000x512xf32, #tpu.memory_space<vmem>>, vector<1x1000x512xf32>
    %swap3A_409 = vector.shape_cast %swap3A_408 : vector<1x1000x512xf32> to vector<1000x512xf32>
    %swap3A_410 = vector.shape_cast %slice3A_404 : vector<1000x512xf32> to vector<1x1000x512xf32>
    tpu.vector_store %arg12[%swap3A_405, %swap3A_406, %swap3A_407], %swap3A_410 {strides = array<i32>} : memref<4x1000x512xf32, #tpu.memory_space<vmem>>, vector<1x1000x512xf32>,
    return
  }
  func.func @transform_0(%arg0: i32) -> (i32, i32, i32) {
    %c0_i32 = arith.constant 0 : i32
    %c0_i32_0 = arith.constant 0 : i32
    %c0_i32_1 = arith.constant 0 : i32
    return %c0_i32, %arg0, %c0_i32_0 : i32, i32, i32
  }
  func.func @transform_1(%arg0: i32) -> (i32, i32) {
    %c0_i32 = arith.constant 0 : i32
    %c0_i32_0 = arith.constant 0 : i32
    %c0_i32_1 = arith.constant 0 : i32
    return %c0_i32, %c0_i32_0 : i32, i32
  }
  func.func @transform_2(%arg0: i32) -> (i32, i32) {
    %c0_i32 = arith.constant 0 : i32
    %c0_i32_0 = arith.constant 0 : i32
    %c0_i32_1 = arith.constant 0 : i32
    return %c0_i32, %c0_i32_0 : i32, i32
  }
  func.func @transform_3(%arg0: i32) -> (i32, i32) {
    %c0_i32 = arith.constant 0 : i32
    %c0_i32_0 = arith.constant 0 : i32
    %c0_i32_1 = arith.constant 0 : i32
    return %c0_i32, %c0_i32_0 : i32, i32
  }
  func.func @transform_4(%arg0: i32) -> (i32, i32) {
    %c0_i32 = arith.constant 0 : i32
    %c0_i32_0 = arith.constant 0 : i32
    %c0_i32_1 = arith.constant 0 : i32
    return %c0_i32, %c0_i32_0 : i32, i32
  }
  func.func @transform_5(%arg0: i32) -> (i32, i32) {
    %c0_i32 = arith.constant 0 : i32
    %c0_i32_0 = arith.constant 0 : i32
    %c0_i32_1 = arith.constant 0 : i32
    return %c0_i32, %c0_i32_0 : i32, i32
  }
  func.func @transform_6(%arg0: i32) -> (i32, i32) {
    %c0_i32 = arith.constant 0 : i32
    %c0_i32_0 = arith.constant 0 : i32
    %c0_i32_1 = arith.constant 0 : i32
    return %c0_i32, %c0_i32_0 : i32, i32
  }
  func.func @transform_7(%arg0: i32) -> (i32, i32) {
    %c0_i32 = arith.constant 0 : i32
    %c0_i32_0 = arith.constant 0 : i32
    %c0_i32_1 = arith.constant 0 : i32
    return %c0_i32, %c0_i32_0 : i32, i32
  }
  func.func @transform_8(%arg0: i32) -> (i32, i32) {
    %c0_i32 = arith.constant 0 : i32
    %c0_i32_0 = arith.constant 0 : i32
    %c0_i32_1 = arith.constant 0 : i32
    return %c0_i32, %c0_i32_0 : i32, i32
  }
  func.func @transform_9(%arg0: i32) -> (i32, i32) {
    %c0_i32 = arith.constant 0 : i32
    %c0_i32_0 = arith.constant 0 : i32
    %c0_i32_1 = arith.constant 0 : i32
    return %c0_i32, %c0_i32_0 : i32, i32
  }
  func.func @transform_10(%arg0: i32) -> (i32, i32) {
    %c0_i32 = arith.constant 0 : i32
    %c0_i32_0 = arith.constant 0 : i32
    %c0_i32_1 = arith.constant 0 : i32
    return %c0_i32, %c0_i32_0 : i32, i32
  }
  func.func @transform_11(%arg0: i32) -> (i32, i32, i32) {
    %c0_i32 = arith.constant 0 : i32
    %c0_i32_0 = arith.constant 0 : i32
    %c0_i32_1 = arith.constant 0 : i32
    return %c0_i32, %c0_i32_0, %arg0 : i32, i32, i32
  }
}

</mosaic_0001>

<sc_bundles>
// kernel: kernel.4.cloned.1.call-start
scs
__scs_entry_jumppad:
0x0: {  	(pc) =	sbr.rel $0x88, $3  }
0x1: {  	(tag) =	ssettag $0x0;
	lr =	simm.s32 $0x1  }
0x2: {  	[smem:$0x3F95] =	sst lr;
	_ =	strace $0xD0000000  }
0x3: {  	_ = 	snop  }
0x4: {  	_ = 	snop  }
0x5: {  	_ = 	snop  }
0x6: {  	_ = 	snop  }
0x7: {  	_ = 	snop  }
__scs_overlays_trampoline_lowered:
0x8: {  	[smem:$0x3FA4] =	sst s0  }
0x9: {  	[smem:$0x3FA5] =	sst s1  }
0xa: {  	[smem:$0x3FA6] =	sst s2  }
0xb: {  	[smem:$0x3FA7] =	sst s3  }
0xc: {  	[smem:$0x3FA8] =	sst s4  }
0xd: {  	[smem:$0x3FA9] =	sst s5  }
0xe: {  	[smem:$0x3FAA] =	sst s6  }
0xf: {  	[smem:$0x3FAB] =	sst s7  }
0x10: {  	[smem:$0x3FAC] =	sst s8  }
0x11: {  	[smem:$0x3FAD] =	sst s9;
	s0 =	simm.s32 @!p0 $0x0  }
0x12: {  	s1 =	sld [smem:$0x3F93];
	s0 =	simm.s32 @p0 $0x1  }
0x13: {  	[smem:$0x3FAE] =	sst s0;
	s0 =	simm.s32 @!p1 $0x0  }
0x14: {  	s2 =	sld [smem:$0x3F92];
	s0 =	simm.s32 @p1 $0x1  }
0x15: {  	[smem:$0x3FAF] =	sst s0;
	s0 =	simm.s32 @!p2 $0x0  }
0x16: {  	s3 =	sld [smem:$0x3FDB];
	s0 =	simm.s32 @p2 $0x1  }
0x17: {  	s4 =	simm.s32 $0x1BF5;
	[smem:$0x3FB1] =	sst s0  }
0x18: {  	s0 =	sld [smem:$0x3F94];
	_ =	swait.ge [sflag:s4], $0x0  }
0x19: {  	s7 =	sld [smem:$0x3F95]  }
0x1a: {  	s8 =	sadd.s32 $0xFFFFE003, lr  }
0x1b: {  	s9 =	sadd.s32 $0xFFFFFEF7, lr;
	s5 =	simm.s32 $0xFFFFFFFF;
	p2 =	slt.u32 s8, $0xFFFFF086  }
0x1c: {  	p1 =	slt.u32 s9, $0xF7A;
	s5 =	simm.s32 @!p2 $0x0  }
0x1d: {  	s5 =	simm.s32 @p1 $0x1;
	p0 =	seq.s32 s7, s2  }
0x1e: {  	s7 =	smul.u32 @!p0 $0xF7A, s2;
	p2 =	seq.s32 @!p0 s5, $0x0  }
0x1f: {  	s9 =	smul.u32 $0xF7A, s1;
	s8 =	simm.s32 @!p0 $0x1BF5;
	p2 =	por !p2, p0  }
0x20: {  	[sflag:s8] =	ssyncset.s32 @!p0 $0xFFFFF086;
	s6 =	sadd.s32 @!p0 s3, s7;
	s7 =	simm.s32 @!p0 $0x108  }
0x21: {  	s3 =	sadd.s32 s3, s9;
	s6 =	sadd.s32 @!p0 $0x88, s6;
	s7 =	simm.s32 @p2 $0x1082  }
0x22: {  	[simem:s7], [sflag:s8] =	dma.local @!p0 [hbm:s6], $0xF7A  }
0x23: {  	s9 =	sor.u32 $0xD0000000, s2;
	s6 =	simm.s32 $0x108;
	_ =	swait.ge @!p0 [sflag:s8], $0x0  }
0x24: {  	s3 =	sadd.s32 $0x88, s3;
	s6 =	simm.s32 @!p1 $0x1082;
	[sflag:s4] =	ssyncset.s32 $0xFFFFF086  }
0x25: {  	[simem:s6], [sflag:s4] =	dma.local [hbm:s3], $0xF7A  }
0x26: {  	[smem:$0x3F95] =	sst s1;
	(tag) =	ssettag s2;
	_ =	strace s9  }
0x27: {  	s1 =	sld [smem:$0x3FA5]  }
0x28: {  	s2 =	sld [smem:$0x3FA6]  }
0x29: {  	s4 =	sld [smem:$0x3FA8]  }
0x2a: {  	p0 =	seq.s32 s5, $0x0;
	s5 =	sld [smem:$0x3FA9]  }
0x2b: {  	s6 =	sld [smem:$0x3FAA]  }
0x2c: {  	s7 =	sld [smem:$0x3FAB]  }
0x2d: {  	s3 =	simm.s32 $0x108;
	s8 =	sld [smem:$0x3FAC]  }
0x2e: {  	s3 =	simm.s32 @!p0 $0x1082;
	s9 =	sld [smem:$0x3FAD]  }
0x2f: {  	lr =	sadd.s32 s0, s3;
	s0 =	sld [smem:$0x3FA4]  }
0x30: {  	s3 =	sld [smem:$0x3FA7]  }
0x31: {  	[smem:$0x3FB0] =	sst s10  }
0x32: {  	s10 =	sld [smem:$0x3FAE];
	_ =	sdelay $0x3  }
0x33: {  	p0 =	seq.s32 s10, $0x1;
	s10 =	sld [smem:$0x3FB0];
	_ =	sdelay $0x3  }
0x34: {  	[smem:$0x3FB0] =	sst s10  }
0x35: {  	s10 =	sld [smem:$0x3FAF];
	_ =	sdelay $0x3  }
0x36: {  	p1 =	seq.s32 s10, $0x1;
	s10 =	sld [smem:$0x3FB0];
	_ =	sdelay $0x3  }
0x37: {  	[smem:$0x3FB0] =	sst s10  }
0x38: {  	s10 =	sld [smem:$0x3FB1]  }
0x39: {  	_ = 	snop;
	(pc) =	sbr.ind lr, $3  }
0x3a: {  	_ = 	snop  }
0x3b: {  	_ = 	snop  }
0x3c: {  	p2 =	seq.s32 s10, $0x1;
	s10 =	sld [smem:$0x3FB0]  }
0x3d: {  	_ =	shalt  }
0x3e: {  	_ =	shalt  }
0x3f: {  	_ =	shalt  }
0x40: {  	_ =	shalt  }
0x41: {  	_ =	shalt  }
0x42: {  	_ =	shalt  }
0x43: {  	_ =	shalt  }
0x44: {  	_ =	shalt  }
0x45: {  	_ =	shalt  }
0x46: {  	_ =	shalt  }
0x47: {  	_ =	shalt  }
0x48: {  	_ =	shalt  }
0x49: {  	_ =	shalt  }
0x4a: {  	_ =	shalt  }
0x4b: {  	_ =	shalt  }
0x4c: {  	_ =	shalt  }
0x4d: {  	_ =	shalt  }
0x4e: {  	_ =	shalt  }
0x4f: {  	_ =	shalt  }
0x50: {  	_ =	shalt  }
0x51: {  	_ =	shalt  }
0x52: {  	_ =	shalt  }
0x53: {  	_ =	shalt  }
0x54: {  	_ =	shalt  }
0x55: {  	_ =	shalt  }
0x56: {  	_ =	shalt  }
0x57: {  	_ =	shalt  }
0x58: {  	_ =	shalt  }
0x59: {  	_ =	shalt  }
0x5a: {  	_ =	shalt  }
0x5b: {  	_ =	shalt  }
0x5c: {  	_ =	shalt  }
0x5d: {  	_ =	shalt  }
0x5e: {  	_ =	shalt  }
0x5f: {  	_ =	shalt  }
0x60: {  	_ =	shalt  }
0x61: {  	_ =	shalt  }
0x62: {  	_ =	shalt  }
0x63: {  	_ =	shalt  }
0x64: {  	_ =	shalt  }
0x65: {  	_ =	shalt  }
0x66: {  	_ =	shalt  }
0x67: {  	_ =	shalt  }
0x68: {  	_ =	shalt  }
0x69: {  	_ =	shalt  }
0x6a: {  	_ =	shalt  }
0x6b: {  	_ =	shalt  }
0x6c: {  	_ =	shalt  }
0x6d: {  	_ =	shalt  }
0x6e: {  	_ =	shalt  }
0x6f: {  	_ =	shalt  }
0x70: {  	_ =	shalt  }
0x71: {  	_ =	shalt  }
0x72: {  	_ =	shalt  }
0x73: {  	_ =	shalt  }
0x74: {  	_ =	shalt  }
0x75: {  	_ =	shalt  }
0x76: {  	_ =	shalt  }
0x77: {  	_ =	shalt  }
0x78: {  	_ =	shalt  }
0x79: {  	_ =	shalt  }
0x7a: {  	_ =	shalt  }
0x7b: {  	_ =	shalt  }
0x7c: {  	_ =	shalt  }
0x7d: {  	_ =	shalt  }
0x7e: {  	_ =	shalt  }
0x7f: {  	_ =	shalt  }
0x80: {  	_ =	shalt  }
0x81: {  	_ =	shalt  }
0x82: {  	_ =	shalt  }
0x83: {  	_ =	shalt  }
0x84: {  	_ =	shalt  }
0x85: {  	_ =	shalt  }
0x86: {  	_ =	shalt  }
0x87: {  	_ =	shalt  }
.Lfunc_end0:
.L_simem_size_0:
called_computation_lowered:
.L_overlay_start_0:
0x88: {  	s2 =	sld [smem:$0x3FD9]  }
0x89: {  	s3 =	sld [smem:$0x3FFE];
	_ =	sdelay $0x1  }
0x8a: {  	s1 =	srdreg.scid  }
0x8b: {  	s0 =	sand.u32 $0x1, s1  }
0x8c: {  	s17 =	sshll.u32 s0, $0xA;
	s2 =	sadd.s32 s3, s2  }
0x8d: {  	s2 =	sadd.s32 s2, s17  }
0x8e: {  	[smem:$0x3FBC] =	sst s2  }
0x8f: {  	_ = 	snop  }
0x90: {  	s2 =	sld [smem:$0x3FC8]  }
0x91: {  	s18 =	sld [smem:$0x3FD0];
	(tm) =	ssettm $0x1  }
0x92: {  	s4 =	sld [smem:$0x3FFB];
	_ =	sdelay $0x3  }
0x93: {  	_ =	strace s4  }
0x94: {  	s4 =	sld [smem:$0x3FFC];
	_ =	sdelay $0x3  }
0x95: {  	_ =	strace s4  }
0x96: {  	s4 =	sld [smem:$0x3FFD];
	_ =	sdelay $0x3  }
0x97: {  	_ =	strace s4  }
0x98: {  	_ =	strace $0x8FFFFFFF  }
0x99: {  	s19 =	sld [smem:$0x3FDB];
	_ =	sdelay $0x1  }
0x9a: {  	s5 =	simm.s32 $_scs_section_size  }
0x9b: {  	s6 =	simm.s32 $_size__tile_overlayer_lowered;
	s7 =	simm.s32 $_tile_overlayer_lowered  }
0x9c: {  	s22 =	simm.s32 $0x1BFF;
	s21 =	sshll.u32 s7, $0x1;
	s4 =	sadd.s32 s5, s19  }
0x9d: {  	s8 =	simm.s32 $0x0;
	s20 =	sshll.u32 s6, $0x1;
	s6 =	sadd.s32 s21, s4  }
0x9e: {  	[timem:s8], [sflag:s22] =	dma.local [hbm:s6], s20  }
0x9f: {  	_ =	swait.ge [sflag:s22], s20  }
0xa0: {  	s5 =	ssub.s32 $0x0, s20;
	[sflag:s22] =	ssyncset.done $0x0  }
0xa1: {  	[sflag:s22] =	ssyncadd.s32 s5;
	_ =	sdelay $0x1  }
0xa2: {  	s23 =	simm.s32 $0x1B8B  }
0xa3: {  	_ =	swait.ge [sflag:s23], $0x1  }
0xa4: {  	[sflag:s23] =	ssyncset.done $0x0  }
0xa5: {  	s25 =	simm.s32 $0x1B8E;
	s24 =	sld [smem:$0x3FFE];
	[sflag:s23] =	ssyncadd.s32 $0xFFFFFFFF  }
0xa6: {  	s26 =	simm.s32 $execute0_lowered;
	[smem:$0x3FD2] =	sst s25  }
0xa7: {  	s6 =	sshll.u32 s26, $0x1;
	_ =	strace $0x80000046;
	[dreg:$0x1] =	wrdreg $0xFFFFFFFF  }
0xa8: {  	s28 =	simm.s32 $_size_execute0_lowered;
	s4 =	sadd.s32 s4, s6;
	[dreg:$0x0] =	wrdreg $0x0  }
0xa9: {  	s6 =	sshll.u32 s28, $0x1;
	[dreg:$0x2] =	wrdreg s4  }
0xaa: {  	[dreg:$0x3] =	wrdreg s6  }
0xab: {  	[dreg:$0x4] =	wrdreg $0xC0  }
0xac: {  	_ =	task [dreg:s8], $0x5FFFF  }
0xad: {  	[dreg:$0x1] =	wrdreg $0xFFFFFFFF  }
0xae: {  	[dreg:$0x0] =	wrdreg $0x60  }
0xaf: {  	[dreg:$0x2] =	wrdreg s2  }
0xb0: {  	[dreg:$0x3] =	wrdreg s24  }
0xb1: {  	[dreg:$0x4] =	wrdreg s18  }
0xb2: {  	[dreg:$0x5] =	wrdreg $0x9  }
0xb3: {  	_ =	task.clear_ibuf [dreg:s8], $0x6FFFF;
	_ =	strace $0x90000046  }
0xb4: {  	s29 =	simm.s32 $0x9;
	_ =	strace $0x80000048  }
0xb5: {  	_ =	swait.ge [sflag:s29], $0x1  }
0xb6: {  	[sflag:s29] =	ssyncadd.s32 $0xFFFFFFFF  }
0xb7: {  	_ =	strace $0x90000048  }
0xb8: {  	_ =	sfence  }
0xb9: {  	s30 =	sld [smem:$0x0];
	_ =	sdelay $0x2  }
0xba: {  	s31 =	sshll.u32 s1, $0xD;
	s1 =	sshrl.u32 s1, $0x2  }
0xbb: {  	s3 =	sand.u32 $0x4000, s31;
	s1 =	sadd.s32 s1, s30  }
0xbc: {  	s0 =	sor.u32 s3, s0;
	s1 =	sshll.u32 s1, $0x11  }
0xbd: {  	s0 =	sor.u32 s1, s0  }
0xbe: {  	s0 =	sadd.s32 $0x8F2B, s0  }
0xbf: {  	[sflag:s0] =	ssyncadd.remote.s32 $0x1  }
0xc0: {  	_ =	sfence.sel $0xFFFF  }
0xc1: {  	[dreg:$0x0] =	wrdreg $0xFFFFFFFF;
	(pc) =	sbr.abs _section_cstart, $3  }
0xc2: {  	[dreg:$0x1] =	wrdreg $0xFFFFFFFF  }
0xc3: {  	_ =	task.clear_ibuf [dreg:s8], $0x2FFFF;
	_ =	strace $0x9FFFFFFF  }
0xc4: {  	(tm) =	ssettm $0x7FFFFFFF  }
0xc5: {  	_ =	shalt  }
tec
execute0_lowered:
.L_overlay_start_1:
0x0: {  	(tag) =	ssettag $0x1  }
0x1: {  	s2 =	srdreg.scid  }
0x2: {  	s1 =	rddreg [dreg:$0x0];
	s0 =	stileid.u32;
	s6 =	sand.u32 $0x1, s2  }
0x3: {  	s4 =	rddreg [dreg:$0x1];
	s30 =	sshll.u32 s0, $0x9;
	s3 =	sshll.u32 s6, $0x8  }
0x4: {  	s8 =	rddreg [dreg:$0x2];
	s9 =	sor.u32 s3, s30  }
0x5: {  	s2 =	rddreg [dreg:$0x3];
	s3 =	simm.s32 $0x0;
	s5 =	sshrl.u32 s9, $0x3  }
0x6: {  	s10 =	ssub.s32 $0x2, s6;
	[smem:$0x7FF] =	sst s3;
	s4 =	sadd.s32 s5, s4  }
0x7: {  	_ =	strace $0x80000047;
	s5 =	sadd.s32 $0x1000, s4;
	s4 =	simm.s32 $0x2  }
0x8: {  	[tilespmem:s3], [sflag:$0x2] =	stream.linear.gather [hbm4b:s5+s3], $0x100, $0x38;
	[tilespmem:$0x8100] =	vst v63  }
0x9: {  	s11 =	sshrl.u32 s10, $0x1;
	_ =	swait.ge [sflag:s4], $0x100  }
0xa: {  	s7 =	simm.s32 $0x1;
	s10 =	ssub.s32 s10, s11;
	[sflag:s4] =	ssyncset.done $0x0  }
0xb: {  	s6 =	simm.s32 $0x100;
	s31 =	smax.u32 s10, $0x1;
	[sflag:s4] =	ssyncadd.s32 $0xFFFFFF00  }
0xc: {  	[tilespmem:s6], [sflag:$0x1] =	stream.indirect.gather [hbm4b:s1+s6], $0x80, s3, s6, $0xb8;
	[tilespmem:$0x8100] =	vst v63  }
0xd: {  	p0 =	sne.s32 s31, $0x1;
	_ =	swait.ge [sflag:s7], $0x8000  }
.Ltmp0:
0xe: {  	s9 =	sshll.u32 s9, $0x4;
	[sflag:s7] =	ssyncset.done $0x0;
	(pc) =	sbr.rel @!p0 .LBB2_2-.Ltmp0, $4  }
0xf: {  	s8 =	sadd.s32 s8, s9;
	[sflag:s7] =	ssyncadd.s32 $0xFFFF8000  }
0x10: {  	[hbm4b:s8+s3] =	stream.linear.scatter [tilespmem:s6], [sflag:$0x2], $0x8000, $0x38;
	[tilespmem:$0x8100] =	vst v63  }
0x11: {  	_ =	swait.ge [sflag:s4], $0x8000  }
0x12: {  	s9 =	sadd.s32 $0xFFFFFFFF, s31;
	[sflag:s4] =	ssyncset.done $0x0  }
.LBB2_1:
0x13: {  	p0 =	sne.s32 s9, $0x1;
	s9 =	sadd.s32 $0xFFFFFFFF, s9;
	[sflag:s4] =	ssyncadd.s32 $0xFFFF8000  }
0x14: {  	[tilespmem:s3], [sflag:$0x2] =	stream.linear.gather [hbm4b:s5+s3], $0x100, $0x38;
	[tilespmem:$0x8100] =	vst v63  }
0x15: {  	_ =	swait.ge [sflag:s4], $0x100  }
0x16: {  	[sflag:s4] =	ssyncset.done $0x0  }
0x17: {  	[sflag:s4] =	ssyncadd.s32 $0xFFFFFF00  }
0x18: {  	[tilespmem:s6], [sflag:$0x1] =	stream.indirect.gather [hbm4b:s1+s6], $0x80, s3, s6, $0xb8;
	[tilespmem:$0x8100] =	vst v63  }
0x19: {  	_ =	swait.ge [sflag:s7], $0x8000  }
.Ltmp1:
0x1a: {  	[sflag:s7] =	ssyncset.done $0x0;
	(pc) =	sbr.rel @p0 .LBB2_1-.Ltmp1, $4  }
0x1b: {  	[sflag:s7] =	ssyncadd.s32 $0xFFFF8000  }
0x1c: {  	[hbm4b:s8+s3] =	stream.linear.scatter [tilespmem:s6], [sflag:$0x2], $0x8000, $0x38;
	[tilespmem:$0x8100] =	vst v63  }
0x1d: {  	_ =	swait.ge [sflag:s4], $0x8000  }
0x1e: {  	[sflag:s4] =	ssyncset.done $0x0  }
.LBB2_2:
0x1f: {  	[sflag:s4] =	ssyncadd.s32 $0xFFFF8000  }
0x20: {  	_ =	sfence.sel $0x180000  }
0x21: {  	[bflag:$0x0] =	sbarrier.arrive $0xFFFF  }
0x22: {  	p0 =	sne.s32 s0, $0x0;
	_ =	strace $0x90000047  }
0x23: {  	s0 =	sadd.s32 @!p0 $0x100000, s2;
	[bflag:$0x2] =	sbarrier.arrive $0xFFFF  }
0x24: {  	[sflag:s0] =	ssyncadd.tile.s32 @!p0 $0x1;
	_ =	shalt  }
.Lfunc_end2:
_tile_overlayer_lowered:
.L_overlay_start_2:
0x25: {  	(tag) =	ssettag $0x2  }
0x26: {  	s0 =	rddreg [dreg:$0x0];
	s2 =	stileid.u32  }
0x27: {  	s1 =	rddreg [dreg:$0x1];
	p0 =	sne.s32 s2, $0x0  }
0x28: {  	s3 =	rddreg [dreg:$0x2];
	[bflag:$0x3] =	sbarrier.arrive $0xFFFF;
	s2 =	simm.s32 @!p0 $0x1C02  }
0x29: {  	[timem:s3], [sflag:s2] =	dma.local @!p0 [hbm:s0], s1  }
0x2a: {  	s0 =	simm.s32 @!p0 $0x2  }
0x2b: {  	_ =	swait.ge @!p0 [sflag:s0], s1  }
0x2c: {  	s1 =	ssub.s32 @!p0 $0x0, s1;
	[sflag:s0] =	ssyncset.done @!p0 $0x0  }
0x2d: {  	[sflag:s0] =	ssyncadd.s32 @!p0 s1  }
0x2e: {  	[bflag:$0x3] =	sbarrier.arrive $0xFFFF  }
0x2f: {  	_ =	shalt  }

</sc_bundles>
